<compile_context>
chip_gen: v7x
topology: tpu7x:2x2x1
jax: 0.10.2.dev20260603
libtpu: 0.0.44.dev20260713+nightly
codegen_flags: <defaults>
</compile_context>

<pallas_src>
import functools

import numpy as np
import jax
import jax.numpy as jnp
from jax.experimental import pallas as pl
from jax.experimental.pallas import tpu as pltpu
from jax.experimental.pallas import tpu_sc as plsc

_B, _T, _L, _D, _H, _E = 2, 4, 2048, 768, 12, 64
_U = 40
_IDX_SAMPLE = np.random.default_rng(0).choice(_L, _U, replace=False)
_CH = 1024
_NC = _L // _CH
_CS = 512
_NEG = float("-inf")


def _proj_kernel(q_ref, v_ref, vs_ref, wq_ref, wv_ref, wrow_ref,
                 vout_ref, qout_ref, idx_ref, fi_ref, ob_ref, m_scr,
                 carry_scr, ksbd_scr, qtmp_scr, qsem):
    p = pl.program_id(0)
    c = pl.program_id(1)
    prec_m = None

    Qc = jnp.dot(q_ref[0, 0], wq_ref[...], preferred_element_type=jnp.float32,
                 precision=prec_m)
    Vc = jnp.dot(v_ref[0, 0], wv_ref[...], preferred_element_type=jnp.float32,
                 precision=prec_m)
    vout_ref[0, 0] = Vc

    @pl.when(p >= _T)
    def _():
        qtmp_scr[...] = Qc
        t = p % _T
        cp = pltpu.make_async_copy(
            qtmp_scr, qout_ref.at[t, pl.ds(c * _CH, _CH), :], qsem)
        cp.start()
        cp.wait()

    @pl.when(c == 0)
    def _():
        carry_scr[...] = jnp.zeros_like(carry_scr)
        Ks = jnp.dot(vs_ref[0, 0], wv_ref[...],
                     preferred_element_type=jnp.float32,
                     precision=prec_m)
        rowsb = jax.lax.broadcasted_iota(jnp.int32, (_H * _U, _H * _E), 0)
        colsb = jax.lax.broadcasted_iota(jnp.int32, (_H * _U, _H * _E), 1)
        Ktile = jnp.concatenate([Ks] * _H, axis=0)
        ksbd_scr[...] = jnp.where(rowsb // _U == colsb // _E, Ktile, 0.0)

    St = jax.lax.dot_general(ksbd_scr[...], Qc, (((1,), (1,)), ((), ())),
                             preferred_element_type=jnp.float32,
                             precision=prec_m)
    for h in range(_H):
        Sh = St[h * _U:(h + 1) * _U, :]
        Mrow = jnp.max(Sh, axis=0) - jnp.sum(Sh, axis=0) * (1.0 / _L)
        m_scr[h, pl.ds(c * _CH, _CH)] = Mrow

    Vw = Vc * wrow_ref[0:1, :]
    R = (Vw[:, 0:128] + Vw[:, 128:256] + Vw[:, 256:384] + Vw[:, 384:512]
         + Vw[:, 512:640] + Vw[:, 640:768])
    Z = R[:, 0:_E] + R[:, _E:128]
    tri = (jax.lax.broadcasted_iota(jnp.int32, (_CS, _CS), 0)
           >= jax.lax.broadcasted_iota(jnp.int32, (_CS, _CS), 1)
           ).astype(jnp.float32)
    carry = carry_scr[0:1, :]
    parts = []
    for s in range(_CH // _CS):
        Zs = Z[s * _CS:(s + 1) * _CS, :]
        parts.append(jnp.dot(tri, Zs, preferred_element_type=jnp.float32,
                             precision=None) + carry)
        carry = carry + jnp.sum(Zs, axis=0, keepdims=True)
    carry_scr[0:1, :] = carry
    ob_ref[0, 0] = jnp.concatenate(parts, axis=0)

    @pl.when(c == _NC - 1)
    def _():
        rows = jax.lax.broadcasted_iota(jnp.int32, (16, _L), 0)
        lanes = jax.lax.broadcasted_iota(jnp.int32, (16, _L), 1)
        cols = jax.lax.broadcasted_iota(jnp.int32, (16, 128), 1)
        M = jnp.where(rows < _H, m_scr[...], _NEG)

        def body(j, state):
            M, acc = state
            mval = jnp.max(M, axis=1, keepdims=True)
            cand = jnp.where(M == mval, lanes, _L)
            idx = jnp.min(cand, axis=1, keepdims=True)
            acc = jnp.where(cols == j, idx, acc)
            M = jnp.where(lanes == idx, _NEG, M)
            return M, acc

        _, acc = jax.lax.fori_loop(0, _U, body,
                                   (M, jnp.zeros((16, 128), jnp.int32)))
        idx_ref[0, 0] = acc
        t = pl.program_id(0) % _T
        rows128 = jax.lax.broadcasted_iota(jnp.int32, (16, 128), 0)
        flat = (t * _L + acc) * _H + rows128
        fi_ref[0, 0] = flat[:_H, :_U]


_NW = 32
_NG = _B * _T * _H * _U
_PER_W = _NG // _NW


def _sc_gather(qv, idxflat):
    mesh = plsc.VectorSubcoreMesh(core_axis_name="c", subcore_axis_name="s")

    @functools.partial(
        pl.kernel, mesh=mesh,
        compiler_params=pltpu.CompilerParams(use_tc_tiling_on_sc=False),
        out_type=jax.ShapeDtypeStruct((_NG, _E), jnp.float32),
        scratch_types=[
            pltpu.VMEM((_PER_W,), jnp.int32),
            pltpu.VMEM((_PER_W, _E), jnp.float32),
            pltpu.SemaphoreType.DMA,
        ],
    )
    def k(q_hbm, idx_hbm, out_hbm, idx_v, rows_v, sem):
        wid = jax.lax.axis_index("s") * 2 + jax.lax.axis_index("c")
        base = wid * _PER_W
        pltpu.sync_copy(idx_hbm.at[pl.ds(base, _PER_W)], idx_v)
        pltpu.async_copy(q_hbm.at[idx_v], rows_v, sem).wait()
        pltpu.sync_copy(rows_v, out_hbm.at[pl.ds(base, _PER_W)])

    return k(qv, idxflat)


def _fix_kernel(v0_ref, v1_ref, qr0_ref, qr1_ref, i0_ref, i1_ref, ob_ref,
                w_ref, s_ref, out_ref):
    V0 = v0_ref[0, 0]
    V1 = v1_ref[0, 0]
    i0 = i0_ref[0, 0]
    i1 = i1_ref[0, 0]
    q0 = qr0_ref[0, 0]
    q1 = qr1_ref[0, 0]
    tau = s_ref[0]
    delta = s_ref[1]
    scale = jnp.float32(1.0 / np.sqrt(_E))
    U2 = 2 * _U
    lanesL2 = jax.lax.broadcasted_iota(jnp.int32, (U2, _L), 1)
    rows2 = jax.lax.broadcasted_iota(jnp.int32, (U2, 128), 0)
    cols2 = jax.lax.broadcasted_iota(jnp.int32, (U2, 128), 1)
    bdmask = ((rows2 < _U) == (cols2 < _E)).astype(jnp.float32)
    same_head = ((jax.lax.broadcasted_iota(jnp.int32, (U2, U2), 0) < _U)
                 == (jax.lax.broadcasted_iota(jnp.int32, (U2, U2), 1) < _U)
                 ).astype(jnp.float32)
    z = jnp.zeros((_U, _E), jnp.float32)

    acc = jnp.zeros((_L, _E), jnp.float32)
    for g in range(_H // 2):
        sl = slice(128 * g, 128 * (g + 1))
        V0p = V0[:, sl]
        V1p = V1[:, sl]
        w2 = jnp.where(rows2[:, 0:1] < _U, w_ref[2 * g], w_ref[2 * g + 1])

        idx2, P2, SM2, Qr2 = [], [], [], []
        for ival, qval in ((i0, q0), (i1, q1)):
            ia = ival[2 * g, :_U].reshape(_U, 1)
            ib = ival[2 * g + 1, :_U].reshape(_U, 1)
            ix = jnp.concatenate([ia, ib], axis=0)
            idx2.append(ix)
            P2.append((lanesL2 == ix).astype(jnp.float32))
            SM2.append((lanesL2 <= ix).astype(jnp.float32))
            Qr2.append(jnp.concatenate([
                jnp.concatenate([qval[2 * g], z], axis=1),
                jnp.concatenate([z, qval[2 * g + 1]], axis=1)],
                axis=0))

        deltas = []
        for b, Vp in enumerate((V0p, V1p)):
            S = jax.lax.dot_general(Qr2[b], Vp, (((1,), (1,)), ((), ())),
                                    preferred_element_type=jnp.float32)
            S = (S * tau + delta) * scale
            S = S - jnp.max(S, axis=1, keepdims=True)
            Sexp = jnp.exp(S)
            A = Sexp / jnp.sum(Sexp, axis=1, keepdims=True)
            attn = jnp.dot(A, Vp, preferred_element_type=jnp.float32)
            cumsel = jnp.dot(SM2[b], V0p, preferred_element_type=jnp.float32)
            deltas.append((attn - cumsel) * bdmask * w2)

        eq = (idx2[0] == idx2[1].reshape(1, U2)).astype(jnp.float32)
        hit = jnp.max(eq * same_head, axis=1, keepdims=True)
        d0 = deltas[0] * (1.0 - hit)

        Pall = jnp.concatenate([P2[0], P2[1]], axis=0)
        dall = jnp.concatenate([d0, deltas[1]], axis=0)
        tpair = jax.lax.dot_general(Pall, dall, (((0,), (0,)), ((), ())),
                                    preferred_element_type=jnp.float32)
        acc = acc + tpair[:, 0:_E] + tpair[:, _E:128]

    out_ref[0] = ob_ref[0, 0] + acc


def kernel(queries, keys, values, Wq, Wk, Wv, w_out, tau, delta):
    del keys, Wk
    wq2 = Wq.reshape(_D, _H * _E)
    wv2 = Wv.reshape(_D, _H * _E)
    vs = values[:, :, _IDX_SAMPLE, :]
    wrow = jnp.broadcast_to(jnp.repeat(w_out, _E)[None, :], (8, _H * _E))
    w_pad = jnp.concatenate([w_out, jnp.zeros((4,), jnp.float32)])
    scl = jnp.concatenate([tau, delta]).astype(jnp.float32)

    def bmap(p):
        return 1 - p // _T

    def tmap(p):
        return p % _T

    V, Q, topidx, flatidx, out_base = pl.pallas_call(
        _proj_kernel,
        grid=(_B * _T, _NC),
        in_specs=[
            pl.BlockSpec((1, 1, _CH, _D), lambda p, c: (bmap(p), tmap(p), c, 0)),
            pl.BlockSpec((1, 1, _CH, _D), lambda p, c: (bmap(p), tmap(p), c, 0)),
            pl.BlockSpec((1, 1, _U, _D), lambda p, c: (bmap(p), tmap(p), 0, 0)),
            pl.BlockSpec((_D, _H * _E), lambda p, c: (0, 0)),
            pl.BlockSpec((_D, _H * _E), lambda p, c: (0, 0)),
            pl.BlockSpec((8, _H * _E), lambda p, c: (0, 0)),
        ],
        out_specs=[
            pl.BlockSpec((1, 1, _CH, _H * _E),
                         lambda p, c: (bmap(p), tmap(p), c, 0)),
            pl.BlockSpec(memory_space=pl.ANY),
            pl.BlockSpec((1, 1, 16, 128), lambda p, c: (bmap(p), tmap(p), 0, 0)),
            pl.BlockSpec((1, 1, _H, _U), lambda p, c: (bmap(p), tmap(p), 0, 0)),
            pl.BlockSpec((1, 1, _CH, _E), lambda p, c: (bmap(p), tmap(p), c, 0)),
        ],
        out_shape=[
            jax.ShapeDtypeStruct((_B, _T, _L, _H * _E), jnp.float32),
            jax.ShapeDtypeStruct((_T, _L, _H * _E), jnp.float32),
            jax.ShapeDtypeStruct((_B, _T, 16, 128), jnp.int32),
            jax.ShapeDtypeStruct((_B, _T, _H, _U), jnp.int32),
            jax.ShapeDtypeStruct((_B, _T, _L, _E), jnp.float32),
        ],
        scratch_shapes=[
            pltpu.VMEM((16, _L), jnp.float32),
            pltpu.VMEM((8, _E), jnp.float32),
            pltpu.VMEM((_H * _U, _H * _E), jnp.float32),
            pltpu.VMEM((_CH, _H * _E), jnp.float32),
            pltpu.SemaphoreType.DMA,
        ],
    )(queries, values, vs, wq2, wv2, wrow)

    qv = Q.reshape(_T * _L * _H, _E)
    qr = _sc_gather(qv, flatidx.reshape(_NG)).reshape(_B, _T, _H, _U, _E)

    out0 = pl.pallas_call(
        _fix_kernel,
        grid=(_T,),
        in_specs=[
            pl.BlockSpec((1, 1, _L, _H * _E), lambda t: (0, t, 0, 0)),
            pl.BlockSpec((1, 1, _L, _H * _E), lambda t: (1, t, 0, 0)),
            pl.BlockSpec((1, 1, _H, _U, _E), lambda t: (0, t, 0, 0, 0)),
            pl.BlockSpec((1, 1, _H, _U, _E), lambda t: (1, t, 0, 0, 0)),
            pl.BlockSpec((1, 1, 16, 128), lambda t: (0, t, 0, 0)),
            pl.BlockSpec((1, 1, 16, 128), lambda t: (1, t, 0, 0)),
            pl.BlockSpec((1, 1, _L, _E), lambda t: (0, t, 0, 0)),
            pl.BlockSpec(memory_space=pltpu.SMEM),
            pl.BlockSpec(memory_space=pltpu.SMEM),
        ],
        out_specs=pl.BlockSpec((1, _L, _E), lambda t: (t, 0, 0)),
        out_shape=jax.ShapeDtypeStruct((_T, _L, _E), jnp.float32),
    )(V, V, qr, qr, topidx, topidx, out_base, w_pad, scl)

    return jnp.concatenate([out0[None], out_base[1:]], axis=0)

# --- scband reference (transcript-rebuilt; emitter-appended) ---
"""Pipeline reference for scband-prob-attention-42923903156803 (READ-ONLY COPY).

The authoritative reference and input builder live on the scoring server;
editing this copy changes nothing except your own understanding.
"""

import jax, jax.numpy as jnp
import numpy as np

B, T, L, D, H, KD, VD, FACTOR = 2, 4, 2048, 768, 12, 64, 64, 5

_U_part = min(FACTOR * int(np.ceil(np.log(L))), L)
_u = min(FACTOR * int(np.ceil(np.log(L))), L)
_rng = np.random.default_rng(0)
_index_sample = jnp.asarray(_rng.choice(L, _U_part, replace=False))


def setup_inputs(seed: int = 0) -> dict:
    key = jax.random.key(seed)
    ks = jax.random.split(key, 7)
    queries = jax.random.normal(ks[0], (B, T, L, D), dtype=jnp.float32)
    keys = jax.random.normal(ks[1], (B, T, L, D), dtype=jnp.float32)
    values = jax.random.normal(ks[2], (B, T, L, D), dtype=jnp.float32)
    Wq = jax.random.normal(ks[3], (D, H, KD), dtype=jnp.float32) * 0.02
    Wk = jax.random.normal(ks[4], (D, H, KD), dtype=jnp.float32) * 0.02
    Wv = jax.random.normal(ks[5], (D, H, VD), dtype=jnp.float32) * 0.02
    w_out = jax.random.normal(ks[6], (H,), dtype=jnp.float32) * 0.1
    tau = jnp.ones((1,), dtype=jnp.float32)
    delta = jnp.zeros((1,), dtype=jnp.float32)
    return {"queries": queries, "keys": keys, "values": values, "Wq": Wq, "Wk": Wk, "Wv": Wv, "w_out": w_out, "tau": tau, "delta": delta}


def _forward(queries, keys, values, Wq, Wk, Wv, w_out, tau, delta):
    # Projections (EinsumDense 'abcd,def->abcef', no bias)
    Q = jnp.einsum('abcd,def->abcef', queries, Wq)
    K = jnp.einsum('abcd,def->abcef', keys, Wk)  # computed but unused downstream, faithful to original (which passes V into _prob_QK)
    V = jnp.einsum('abcd,def->abcef', values, Wv)
    # _prob_QK(Q, V): note the ORIGINAL code passes V where K would be expected
    K_sample = jnp.take(V, _index_sample, axis=2)
    Q_K_sample = jnp.einsum('btqhe,btkhe->bthqk', Q, K_sample)
    M = jnp.max(Q_K_sample, axis=-1) - jnp.sum(Q_K_sample, axis=-1) / L
    _, top_idx = jax.lax.top_k(M, _u)  # [B,T,H,u]
    # _index_matrix: batch coordinate is always 0 (faithful to the original tf.where-based construction)
    b_idx = jnp.zeros((B, T, H, _u), dtype=jnp.int32)
    t_idx = jnp.broadcast_to(jnp.arange(T)[None, :, None, None], (B, T, H, _u))
    h_idx = jnp.broadcast_to(jnp.arange(H)[None, None, :, None], (B, T, H, _u))
    Qt = jnp.transpose(Q, (0, 1, 3, 2, 4))  # [B,T,H,L,E]
    Q_reduce = Qt[b_idx, t_idx, h_idx, top_idx]  # gather_nd, [B,T,H,u,E]
    Q_reduce = jnp.transpose(Q_reduce, (0, 1, 3, 2, 4))  # [B,T,u,H,E]
    scores_top = jnp.einsum('btlhe,btshe->bthls', Q_reduce, V)
    # de_stationary rescale
    scores_top = scores_top * tau[0] + delta[0]
    scores_top = scores_top * (1.0 / jnp.sqrt(jnp.float32(KD)))
    # attn_mask is None; Dropout is identity at inference
    scores_top = jax.nn.softmax(scores_top, axis=-1)
    attn = jnp.einsum('bthls,btshe->bthle', scores_top, V)
    # _update_context: cumsum of V then scatter-overwrite at top-k positions
    Vt = jnp.transpose(V, (0, 1, 3, 2, 4))  # [B,T,H,L,E]
    contex = jnp.cumsum(Vt, axis=-2)
    contex = contex.at[b_idx, t_idx, h_idx, top_idx].set(attn)
    out = jnp.einsum('bthle,h->btle', contex, w_out)
    return out


def reference(queries, keys, values, Wq, Wk, Wv, w_out, tau, delta):
    return _forward(queries, keys, values, Wq, Wk, Wv, w_out, tau, delta)

if __name__ == "__main__":
    import jax
    _d = setup_inputs()
    print(jax.jit(kernel)(*tuple(_d.values())))

</pallas_src>

<mosaic_0001>
#map = affine_map<(d0, d1) -> (0, 0)>
#map1 = affine_map<(d0, d1) -> (0)>
module attributes {stable_mosaic.version = 14 : i64} {
  func.func @k(%arg0: i32, %arg1: i32, %arg2: memref<98304x64xf32, #tpu.memory_space<hbm>>, %arg3: memref<3840xi32, #tpu.memory_space<hbm>>, %arg4: memref<3840x64xf32, #tpu.memory_space<hbm>>, %arg5: memref<120xi32, #tpu.memory_space<vmem>>, %arg6: memref<120x64xf32, #tpu.memory_space<vmem>>, %arg7: memref<!tpu.dma_semaphore, #tpu.memory_space<semaphore_mem>>) attributes {dimension_semantics = [#tpu.dimension_semantics<core_parallel>, #tpu.dimension_semantics<subcore_parallel>], iteration_bounds = array<i64: 2, 16>, scalar_prefetch = 0 : i64, scratch_operands = 3 : i64, tpu.core_type = #tpu.core_type<sc_vector_subcore>, window_params = [{transform_indices = #map}, {transform_indices = #map1}, {transform_indices = #map}]} {
    %mul3A = arith.constant 2 : i32
    %mul3A_0 = arith.muli %arg1, %mul3A : i32
    %add3A = arith.addi %mul3A_0, %arg0 : i32
    %mul3A_1 = arith.constant 120 : i32
    %mul3A_2 = arith.muli %add3A, %mul3A_1 : i32
    "tpu.region"() ({
      %run_scoped3A = tpu.sem_alloc : memref<!tpu.dma_semaphore, #tpu.memory_space<semaphore_mem>>
      %dma_start3A_7 = tpu.memref_slice %arg3[%mul3A_2] : memref<3840xi32, #tpu.memory_space<hbm>> -> memref<120xi32, #tpu.memory_space<hbm>>
      %dma_start3A_8 = tpu.memref_slice %arg3[%mul3A_2] : memref<3840xi32, #tpu.memory_space<hbm>> -> memref<120xi32, #tpu.memory_space<hbm>>
      tpu.enqueue_dma source(%dma_start3A_8 : memref<120xi32, #tpu.memory_space<hbm>>) target(%arg5 : memref<120xi32, #tpu.memory_space<vmem>>) target_semaphore(%run_scoped3A : memref<!tpu.dma_semaphore, #tpu.memory_space<semaphore_mem>>)
      %dma_wait3A_9 = tpu.memref_slice %arg3[%mul3A_2] : memref<3840xi32, #tpu.memory_space<hbm>> -> memref<120xi32, #tpu.memory_space<hbm>>
      %dma_wait3A_10 = tpu.memref_slice %arg3[%mul3A_2] : memref<3840xi32, #tpu.memory_space<hbm>> -> memref<120xi32, #tpu.memory_space<hbm>>
      tpu.wait_dma2 semaphore(%run_scoped3A : memref<!tpu.dma_semaphore, #tpu.memory_space<semaphore_mem>>) src(%dma_wait3A_10 : memref<120xi32, #tpu.memory_space<hbm>>) dst(%arg5 : memref<120xi32, #tpu.memory_space<vmem>>)
      tpu.yield
    }) : () -> ()
    %dma_start3A = arith.constant 0 : i32
    %dma_start3A_3 = arith.constant 0 : i32
    %dma_start3A_4 = tpu.memref_slice %arg2[%dma_start3A, %dma_start3A_3] : memref<98304x64xf32, #tpu.memory_space<hbm>> -> memref<98304x64xf32, #tpu.memory_space<hbm>>
    tpu.enqueue_indirect_dma source(%dma_start3A_4 : memref<98304x64xf32, #tpu.memory_space<hbm>>) target(%arg6 : memref<120x64xf32, #tpu.memory_space<vmem>>) offsets(%arg5 : memref<120xi32, #tpu.memory_space<vmem>>) semaphore(%arg7 : memref<!tpu.dma_semaphore, #tpu.memory_space<semaphore_mem>>)
    %dma_wait3A = arith.constant 0 : i32
    %dma_wait3A_5 = arith.constant 0 : i32
    %dma_wait3A_6 = tpu.memref_slice %arg2[%dma_wait3A, %dma_wait3A_5] : memref<98304x64xf32, #tpu.memory_space<hbm>> -> memref<98304x64xf32, #tpu.memory_space<hbm>>
    tpu.wait_indirect_dma semaphore(%arg7 : memref<!tpu.dma_semaphore, #tpu.memory_space<semaphore_mem>>) src(%dma_wait3A_6 : memref<98304x64xf32, #tpu.memory_space<hbm>>) dst(%arg6 : memref<120x64xf32, #tpu.memory_space<vmem>>)
    "tpu.region"() ({
      %run_scoped3A = tpu.sem_alloc : memref<!tpu.dma_semaphore, #tpu.memory_space<semaphore_mem>>
      %dma_start3A_7 = arith.constant 0 : i32
      %dma_start3A_8 = tpu.memref_slice %arg4[%mul3A_2, %dma_start3A_7] : memref<3840x64xf32, #tpu.memory_space<hbm>> -> memref<120x64xf32, #tpu.memory_space<hbm>>
      %dma_start3A_9 = arith.constant 0 : i32
      %dma_start3A_10 = tpu.memref_slice %arg4[%mul3A_2, %dma_start3A_9] : memref<3840x64xf32, #tpu.memory_space<hbm>> -> memref<120x64xf32, #tpu.memory_space<hbm>>
      tpu.enqueue_dma source(%arg6 : memref<120x64xf32, #tpu.memory_space<vmem>>) target(%dma_start3A_10 : memref<120x64xf32, #tpu.memory_space<hbm>>) target_semaphore(%run_scoped3A : memref<!tpu.dma_semaphore, #tpu.memory_space<semaphore_mem>>)
      %dma_wait3A_11 = arith.constant 0 : i32
      %dma_wait3A_12 = tpu.memref_slice %arg4[%mul3A_2, %dma_wait3A_11] : memref<3840x64xf32, #tpu.memory_space<hbm>> -> memref<120x64xf32, #tpu.memory_space<hbm>>
      %dma_wait3A_13 = arith.constant 0 : i32
      %dma_wait3A_14 = tpu.memref_slice %arg4[%mul3A_2, %dma_wait3A_13] : memref<3840x64xf32, #tpu.memory_space<hbm>> -> memref<120x64xf32, #tpu.memory_space<hbm>>
      tpu.wait_dma2 semaphore(%run_scoped3A : memref<!tpu.dma_semaphore, #tpu.memory_space<semaphore_mem>>) src(%arg6 : memref<120x64xf32, #tpu.memory_space<vmem>>) dst(%dma_wait3A_14 : memref<120x64xf32, #tpu.memory_space<hbm>>)
      tpu.yield
    }) : () -> ()
    return
  }
}

module attributes {stable_mosaic.version = 14 : i64} {
  func.func @_proj_kernel(%arg0: i32, %arg1: i32, %arg2: memref<1x1x1024x768xf32, #tpu.memory_space<vmem>>, %arg3: memref<1x1x1024x768xf32, #tpu.memory_space<vmem>>, %arg4: memref<1x1x40x768xf32, #tpu.memory_space<vmem>>, %arg5: memref<768x768xf32, #tpu.memory_space<vmem>>, %arg6: memref<768x768xf32, #tpu.memory_space<vmem>>, %arg7: memref<8x768xf32, #tpu.memory_space<vmem>>, %arg8: memref<1x1x1024x768xf32, #tpu.memory_space<vmem>>, %arg9: memref<4x2048x768xf32, #tpu.memory_space<any>>, %arg10: memref<1x1x16x128xi32, #tpu.memory_space<vmem>>, %arg11: memref<1x1x12x40xi32, #tpu.memory_space<vmem>>, %arg12: memref<1x1x1024x64xf32, #tpu.memory_space<vmem>>, %arg13: memref<16x2048xf32, #tpu.memory_space<vmem>>, %arg14: memref<8x64xf32, #tpu.memory_space<vmem>>, %arg15: memref<480x768xf32, #tpu.memory_space<vmem>>, %arg16: memref<1024x768xf32, #tpu.memory_space<vmem>>, %arg17: memref<!tpu.dma_semaphore, #tpu.memory_space<semaphore_mem>>) attributes {dimension_semantics = [#tpu.dimension_semantics<arbitrary>, #tpu.dimension_semantics<arbitrary>], iteration_bounds = array<i64: 8, 2>, scalar_prefetch = 0 : i64, scratch_operands = 5 : i64, tpu.core_type = #tpu.core_type<tc>, window_params = [{transform_indices = @transform_0, window_bounds = array<i64: 1, 1, 1024, 768>}, {transform_indices = @transform_1, window_bounds = array<i64: 1, 1, 1024, 768>}, {transform_indices = @transform_2, window_bounds = array<i64: 1, 1, 40, 768>}, {pipeline_mode = #tpu.pipeline_mode<synchronous>, transform_indices = @transform_3, window_bounds = array<i64: 768, 768>}, {pipeline_mode = #tpu.pipeline_mode<synchronous>, transform_indices = @transform_4, window_bounds = array<i64: 768, 768>}, {pipeline_mode = #tpu.pipeline_mode<synchronous>, transform_indices = @transform_5, window_bounds = array<i64: 8, 768>}, {transform_indices = @transform_6, window_bounds = array<i64: 1, 1, 1024, 768>}, {}, {transform_indices = @transform_8, window_bounds = array<i64: 1, 1, 16, 128>}, {transform_indices = @transform_9, window_bounds = array<i64: 1, 1, 12, 40>}, {transform_indices = @transform_10, window_bounds = array<i64: 1, 1, 1024, 64>}]} {
    %get3A = arith.constant 0 : index
    %get3A_0 = arith.constant 0 : index
    %get3A_1 = arith.constant 0 : index
    %get3A_2 = arith.constant 0 : index
    %get3A_3 = vector.load %arg2[%get3A, %get3A_0, %get3A_1, %get3A_2] : memref<1x1x1024x768xf32, #tpu.memory_space<vmem>>, vector<1x1x1024x768xf32>
    %get3A_4 = vector.shape_cast %get3A_3 : vector<1x1x1024x768xf32> to vector<1024x768xf32>
    %get3A_5 = arith.constant 0 : index
    %get3A_6 = arith.constant 0 : index
    %get3A_7 = vector.load %arg5[%get3A_5, %get3A_6] : memref<768x768xf32, #tpu.memory_space<vmem>>, vector<768x768xf32>
    %dot_general3A = arith.constant dense<0.000000e+00> : vector<1024x768xf32>
    %dot_general3A_8 = tpu.matmul %get3A_4, %get3A_7, %dot_general3A {dimension_numbers = #tpu.dot_dimension_numbers<[1], [0], [0], [1], [0, 0, 1, 1], [], []>, transpose_lhs_hint = false} : vector<1024x768xf32>, vector<768x768xf32>, vector<1024x768xf32> -> vector<1024x768xf32>
    %get3A_9 = arith.constant 0 : index
    %get3A_10 = arith.constant 0 : index
    %get3A_11 = arith.constant 0 : index
    %get3A_12 = arith.constant 0 : index
    %get3A_13 = vector.load %arg3[%get3A_9, %get3A_10, %get3A_11, %get3A_12] : memref<1x1x1024x768xf32, #tpu.memory_space<vmem>>, vector<1x1x1024x768xf32>
    %get3A_14 = vector.shape_cast %get3A_13 : vector<1x1x1024x768xf32> to vector<1024x768xf32>
    %get3A_15 = arith.constant 0 : index
    %get3A_16 = arith.constant 0 : index
    %get3A_17 = vector.load %arg6[%get3A_15, %get3A_16] : memref<768x768xf32, #tpu.memory_space<vmem>>, vector<768x768xf32>
    %dot_general3A_18 = arith.constant dense<0.000000e+00> : vector<1024x768xf32>
    %dot_general3A_19 = tpu.matmul %get3A_14, %get3A_17, %dot_general3A_18 {dimension_numbers = #tpu.dot_dimension_numbers<[1], [0], [0], [1], [0, 0, 1, 1], [], []>, transpose_lhs_hint = false} : vector<1024x768xf32>, vector<768x768xf32>, vector<1024x768xf32> -> vector<1024x768xf32>
    %swap3A = arith.constant 0 : index
    %swap3A_20 = arith.constant 0 : index
    %swap3A_21 = arith.constant 0 : index
    %swap3A_22 = arith.constant 0 : index
    %swap3A_23 = vector.load %arg8[%swap3A, %swap3A_20, %swap3A_21, %swap3A_22] : memref<1x1x1024x768xf32, #tpu.memory_space<vmem>>, vector<1x1x1024x768xf32>
    %swap3A_24 = vector.shape_cast %swap3A_23 : vector<1x1x1024x768xf32> to vector<1024x768xf32>
    %swap3A_25 = vector.shape_cast %dot_general3A_19 : vector<1024x768xf32> to vector<1x1x1024x768xf32>
    tpu.vector_store %arg8[%swap3A, %swap3A_20, %swap3A_21, %swap3A_22], %swap3A_25 {strides = array<i32>} : memref<1x1x1024x768xf32, #tpu.memory_space<vmem>>, vector<1x1x1024x768xf32>,
    %ge3A = arith.constant 4 : i32
    %ge3A_26 = arith.cmpi sge, %arg0, %ge3A : i32
    %convert_element_type3A = arith.extui %ge3A_26 : i1 to i32
    %cond3A = arith.constant 0 : i32
    %cond3A_27 = arith.cmpi ne, %convert_element_type3A, %cond3A : i32
    scf.if %cond3A_27 {
      %swap3A_281 = arith.constant 0 : index
      %swap3A_282 = arith.constant 0 : index
      %swap3A_283 = vector.load %arg16[%swap3A_281, %swap3A_282] : memref<1024x768xf32, #tpu.memory_space<vmem>>, vector<1024x768xf32>
      tpu.vector_store %arg16[%swap3A_281, %swap3A_282], %dot_general3A_8 {strides = array<i32>} : memref<1024x768xf32, #tpu.memory_space<vmem>>, vector<1024x768xf32>,
      %jit3A = arith.constant 4 : i32
      %eq3A_284 = arith.constant 0 : i32
      %eq3A_285 = arith.cmpi eq, %jit3A, %eq3A_284 : i32
      %jit3A_286 = arith.constant 1 : i32
      %select_n3A = arith.select %eq3A_285, %jit3A_286, %jit3A : i32
      %rem3A = arith.remsi %arg0, %select_n3A : i32
      %ne3A = arith.constant 0 : i32
      %ne3A_287 = arith.cmpi ne, %rem3A, %ne3A : i32
      %lt3A = arith.constant 0 : i32
      %lt3A_288 = arith.cmpi slt, %rem3A, %lt3A : i32
      %lt3A_289 = arith.constant 0 : i32
      %lt3A_290 = arith.cmpi slt, %select_n3A, %lt3A_289 : i32
      %ne3A_291 = arith.xori %lt3A_288, %lt3A_290 : i1
      %and3A = arith.andi %ne3A_291, %ne3A_287 : i1
      %add3A_292 = arith.addi %rem3A, %select_n3A : i32
      %select_n3A_293 = arith.select %and3A, %add3A_292, %rem3A : i32
      %mul3A_294 = arith.constant 1024 : i32
      %mul3A_295 = arith.muli %arg1, %mul3A_294 : i32
      %dma_start3A = arith.constant 0 : i32
      %dma_start3A_296 = tpu.memref_slice %arg9[%select_n3A_293, %mul3A_295, %dma_start3A] : memref<4x2048x768xf32, #tpu.memory_space<any>> -> memref<1x1024x768xf32, #tpu.memory_space<any>>
      %dma_start3A_297 = tpu.memref_squeeze %dma_start3A_296 : memref<1x1024x768xf32, #tpu.memory_space<any>> -> memref<1024x768xf32, #tpu.memory_space<any>>
      tpu.enqueue_dma source(%arg16 : memref<1024x768xf32, #tpu.memory_space<vmem>>) target(%dma_start3A_297 : memref<1024x768xf32, #tpu.memory_space<any>>) target_semaphore(%arg17 : memref<!tpu.dma_semaphore, #tpu.memory_space<semaphore_mem>>)
      %dma_wait3A = arith.constant 0 : i32
      %dma_wait3A_298 = tpu.memref_slice %arg9[%select_n3A_293, %mul3A_295, %dma_wait3A] : memref<4x2048x768xf32, #tpu.memory_space<any>> -> memref<1x1024x768xf32, #tpu.memory_space<any>>
      %dma_wait3A_299 = tpu.memref_squeeze %dma_wait3A_298 : memref<1x1024x768xf32, #tpu.memory_space<any>> -> memref<1024x768xf32, #tpu.memory_space<any>>
      tpu.wait_dma2 semaphore(%arg17 : memref<!tpu.dma_semaphore, #tpu.memory_space<semaphore_mem>>) src(%arg16 : memref<1024x768xf32, #tpu.memory_space<vmem>>) dst(%dma_wait3A_299 : memref<1024x768xf32, #tpu.memory_space<any>>)
    } else {
    }
    %eq3A = arith.constant 0 : i32
    %eq3A_28 = arith.cmpi eq, %arg1, %eq3A : i32
    %convert_element_type3A_29 = arith.extui %eq3A_28 : i1 to i32
    %cond3A_30 = arith.constant 0 : i32
    %cond3A_31 = arith.cmpi ne, %convert_element_type3A_29, %cond3A_30 : i32
    scf.if %cond3A_31 {
      %broadcast_in_dim3A_281 = arith.constant 0.000000e+00 : f32
      %broadcast_in_dim3A_282 = vector.broadcast %broadcast_in_dim3A_281 : f32 to vector<8x64xf32>
      %swap3A_283 = arith.constant 0 : index
      %swap3A_284 = arith.constant 0 : index
      %swap3A_285 = vector.load %arg14[%swap3A_283, %swap3A_284] : memref<8x64xf32, #tpu.memory_space<vmem>>, vector<8x64xf32>
      tpu.vector_store %arg14[%swap3A_283, %swap3A_284], %broadcast_in_dim3A_282 {strides = array<i32>} : memref<8x64xf32, #tpu.memory_space<vmem>>, vector<8x64xf32>,
      %get3A_286 = arith.constant 0 : index
      %get3A_287 = arith.constant 0 : index
      %get3A_288 = arith.constant 0 : index
      %get3A_289 = arith.constant 0 : index
      %get3A_290 = vector.load %arg4[%get3A_286, %get3A_287, %get3A_288, %get3A_289] : memref<1x1x40x768xf32, #tpu.memory_space<vmem>>, vector<1x1x40x768xf32>
      %get3A_291 = vector.shape_cast %get3A_290 : vector<1x1x40x768xf32> to vector<40x768xf32>
      %get3A_292 = arith.constant 0 : index
      %get3A_293 = arith.constant 0 : index
      %get3A_294 = vector.load %arg6[%get3A_292, %get3A_293] : memref<768x768xf32, #tpu.memory_space<vmem>>, vector<768x768xf32>
      %dot_general3A_295 = arith.constant dense<0.000000e+00> : vector<40x768xf32>
      %dot_general3A_296 = tpu.matmul %get3A_291, %get3A_294, %dot_general3A_295 {dimension_numbers = #tpu.dot_dimension_numbers<[1], [0], [0], [1], [0, 0, 1, 1], [], []>, transpose_lhs_hint = false} : vector<40x768xf32>, vector<768x768xf32>, vector<40x768xf32> -> vector<40x768xf32>
      %iota3A_297 = tpu.iota {dimensions = array<i32: 0>} : vector<480x768xi32>
      %iota3A_298 = tpu.iota {dimensions = array<i32: 1>} : vector<480x768xi32>
      %concatenate3A_299 = tpu.concatenate %dot_general3A_296, %dot_general3A_296, %dot_general3A_296, %dot_general3A_296, %dot_general3A_296, %dot_general3A_296, %dot_general3A_296, %dot_general3A_296, %dot_general3A_296, %dot_general3A_296, %dot_general3A_296, %dot_general3A_296 in 0 : vector<40x768xf32>, vector<40x768xf32>, vector<40x768xf32>, vector<40x768xf32>, vector<40x768xf32>, vector<40x768xf32>, vector<40x768xf32>, vector<40x768xf32>, vector<40x768xf32>, vector<40x768xf32>, vector<40x768xf32>, vector<40x768xf32> -> vector<480x768xf32>
      %jit3A = arith.constant 40 : i32
      %div3A = vector.broadcast %jit3A : i32 to vector<480x768xi32>
      %div3A_300 = arith.divsi %iota3A_297, %div3A : vector<480x768xi32>
      %sign3A = arith.constant 0 : i32
      %sign3A_301 = vector.broadcast %sign3A : i32 to vector<480x768xi32>
      %sign3A_302 = arith.cmpi sgt, %iota3A_297, %sign3A_301 : vector<480x768xi32>
      %sign3A_303 = arith.extui %sign3A_302 : vector<480x768xi1> to vector<480x768xi32>
      %sign3A_304 = arith.constant 0 : i32
      %sign3A_305 = vector.broadcast %sign3A_304 : i32 to vector<480x768xi32>
      %sign3A_306 = arith.cmpi slt, %iota3A_297, %sign3A_305 : vector<480x768xi32>
      %sign3A_307 = arith.extui %sign3A_306 : vector<480x768xi1> to vector<480x768xi32>
      %sign3A_308 = arith.subi %sign3A_303, %sign3A_307 : vector<480x768xi32>
      %sign3A_309 = arith.constant 0 : i32
      %sign3A_310 = arith.cmpi sgt, %jit3A, %sign3A_309 : i32
      %sign3A_311 = arith.extui %sign3A_310 : i1 to i32
      %sign3A_312 = arith.constant 0 : i32
      %sign3A_313 = arith.cmpi slt, %jit3A, %sign3A_312 : i32
      %sign3A_314 = arith.extui %sign3A_313 : i1 to i32
      %sign3A_315 = arith.subi %sign3A_311, %sign3A_314 : i32
      %ne3A = vector.broadcast %sign3A_315 : i32 to vector<480x768xi32>
      %ne3A_316 = arith.cmpi ne, %sign3A_308, %ne3A : vector<480x768xi32>
      %rem3A = vector.broadcast %jit3A : i32 to vector<480x768xi32>
      %rem3A_317 = arith.remsi %iota3A_297, %rem3A : vector<480x768xi32>
      %ne3A_318 = arith.constant 0 : i32
      %ne3A_319 = vector.broadcast %ne3A_318 : i32 to vector<480x768xi32>
      %ne3A_320 = arith.cmpi ne, %rem3A_317, %ne3A_319 : vector<480x768xi32>
      %and3A = arith.andi %ne3A_316, %ne3A_320 : vector<480x768xi1>
      %sub3A_321 = arith.constant 1 : i32
      %sub3A_322 = vector.broadcast %sub3A_321 : i32 to vector<480x768xi32>
      %sub3A_323 = arith.subi %div3A_300, %sub3A_322 : vector<480x768xi32>
      %select_n3A = arith.select %and3A, %sub3A_323, %div3A_300 : vector<480x768xi1>, vector<480x768xi32>
      %jit3A_324 = arith.constant 64 : i32
      %div3A_325 = vector.broadcast %jit3A_324 : i32 to vector<480x768xi32>
      %div3A_326 = arith.divsi %iota3A_298, %div3A_325 : vector<480x768xi32>
      %sign3A_327 = arith.constant 0 : i32
      %sign3A_328 = vector.broadcast %sign3A_327 : i32 to vector<480x768xi32>
      %sign3A_329 = arith.cmpi sgt, %iota3A_298, %sign3A_328 : vector<480x768xi32>
      %sign3A_330 = arith.extui %sign3A_329 : vector<480x768xi1> to vector<480x768xi32>
      %sign3A_331 = arith.constant 0 : i32
      %sign3A_332 = vector.broadcast %sign3A_331 : i32 to vector<480x768xi32>
      %sign3A_333 = arith.cmpi slt, %iota3A_298, %sign3A_332 : vector<480x768xi32>
      %sign3A_334 = arith.extui %sign3A_333 : vector<480x768xi1> to vector<480x768xi32>
      %sign3A_335 = arith.subi %sign3A_330, %sign3A_334 : vector<480x768xi32>
      %sign3A_336 = arith.constant 0 : i32
      %sign3A_337 = arith.cmpi sgt, %jit3A_324, %sign3A_336 : i32
      %sign3A_338 = arith.extui %sign3A_337 : i1 to i32
      %sign3A_339 = arith.constant 0 : i32
      %sign3A_340 = arith.cmpi slt, %jit3A_324, %sign3A_339 : i32
      %sign3A_341 = arith.extui %sign3A_340 : i1 to i32
      %sign3A_342 = arith.subi %sign3A_338, %sign3A_341 : i32
      %ne3A_343 = vector.broadcast %sign3A_342 : i32 to vector<480x768xi32>
      %ne3A_344 = arith.cmpi ne, %sign3A_335, %ne3A_343 : vector<480x768xi32>
      %rem3A_345 = vector.broadcast %jit3A_324 : i32 to vector<480x768xi32>
      %rem3A_346 = arith.remsi %iota3A_298, %rem3A_345 : vector<480x768xi32>
      %ne3A_347 = arith.constant 0 : i32
      %ne3A_348 = vector.broadcast %ne3A_347 : i32 to vector<480x768xi32>
      %ne3A_349 = arith.cmpi ne, %rem3A_346, %ne3A_348 : vector<480x768xi32>
      %and3A_350 = arith.andi %ne3A_344, %ne3A_349 : vector<480x768xi1>
      %sub3A_351 = arith.constant 1 : i32
      %sub3A_352 = vector.broadcast %sub3A_351 : i32 to vector<480x768xi32>
      %sub3A_353 = arith.subi %div3A_326, %sub3A_352 : vector<480x768xi32>
      %select_n3A_354 = arith.select %and3A_350, %sub3A_353, %div3A_326 : vector<480x768xi1>, vector<480x768xi32>
      %eq3A_355 = arith.cmpi eq, %select_n3A, %select_n3A_354 : vector<480x768xi32>
      %jit3A_356 = arith.constant 0.000000e+00 : f32
      %broadcast_in_dim3A_357 = vector.broadcast %jit3A_356 : f32 to vector<480x768xf32>
      %select_n3A_358 = arith.select %eq3A_355, %concatenate3A_299, %broadcast_in_dim3A_357 : vector<480x768xi1>, vector<480x768xf32>
      %swap3A_359 = arith.constant 0 : index
      %swap3A_360 = arith.constant 0 : index
      %swap3A_361 = vector.load %arg15[%swap3A_359, %swap3A_360] : memref<480x768xf32, #tpu.memory_space<vmem>>, vector<480x768xf32>
      tpu.vector_store %arg15[%swap3A_359, %swap3A_360], %select_n3A_358 {strides = array<i32>} : memref<480x768xf32, #tpu.memory_space<vmem>>, vector<480x768xf32>,
    } else {
    }
    %get3A_32 = arith.constant 0 : index
    %get3A_33 = arith.constant 0 : index
    %get3A_34 = vector.load %arg15[%get3A_32, %get3A_33] : memref<480x768xf32, #tpu.memory_space<vmem>>, vector<480x768xf32>
    %dot_general3A_35 = arith.constant dense<0.000000e+00> : vector<480x1024xf32>
    %dot_general3A_36 = tpu.matmul %get3A_34, %dot_general3A_8, %dot_general3A_35 {dimension_numbers = #tpu.dot_dimension_numbers<[1], [1], [0], [0], [0, 0, 1, 0], [], []>, transpose_lhs_hint = false} : vector<480x768xf32>, vector<1024x768xf32>, vector<480x1024xf32> -> vector<480x1024xf32>
    %slice3A = vector.extract_strided_slice %dot_general3A_36 {offsets = [0, 0], sizes = [40, 1024], strides = [1, 1]} : vector<480x1024xf32> to vector<40x1024xf32>
    %reduce_max3A = arith.constant dense<0xFF800000> : vector<1024xf32>
    %reduce_max3A_37 = vector.multi_reduction <maximumf>, %slice3A, %reduce_max3A [0] : vector<40x1024xf32> to vector<1024xf32>
    %reduce_sum3A = arith.constant dense<0.000000e+00> : vector<1024xf32>
    %reduce_sum3A_38 = vector.multi_reduction <add>, %slice3A, %reduce_sum3A [0] : vector<40x1024xf32> to vector<1024xf32>
    %mul3A = arith.constant 4.8828125E-4 : f32
    %mul3A_39 = vector.broadcast %mul3A : f32 to vector<1024xf32>
    %mul3A_40 = arith.mulf %reduce_sum3A_38, %mul3A_39 : vector<1024xf32>
    %sub3A = arith.subf %reduce_max3A_37, %mul3A_40 : vector<1024xf32>
    %mul3A_41 = arith.constant 1024 : i32
    %mul3A_42 = arith.muli %arg1, %mul3A_41 : i32
    %swap3A_43 = arith.constant 0 : index
    %swap3A_44 = arith.index_cast %mul3A_42 : i32 to index
    %swap3A_45 = vector.load %arg13[%swap3A_43, %swap3A_44] : memref<16x2048xf32, #tpu.memory_space<vmem>>, vector<1x1024xf32>
    %swap3A_46 = vector.shape_cast %swap3A_45 : vector<1x1024xf32> to vector<1024xf32>
    %swap3A_47 = vector.shape_cast %sub3A : vector<1024xf32> to vector<1x1024xf32>
    tpu.vector_store %arg13[%swap3A_43, %swap3A_44], %swap3A_47 {strides = array<i32>} : memref<16x2048xf32, #tpu.memory_space<vmem>>, vector<1x1024xf32>,
    %slice3A_48 = vector.extract_strided_slice %dot_general3A_36 {offsets = [40, 0], sizes = [40, 1024], strides = [1, 1]} : vector<480x1024xf32> to vector<40x1024xf32>
    %reduce_max3A_49 = arith.constant dense<0xFF800000> : vector<1024xf32>
    %reduce_max3A_50 = vector.multi_reduction <maximumf>, %slice3A_48, %reduce_max3A_49 [0] : vector<40x1024xf32> to vector<1024xf32>
    %reduce_sum3A_51 = arith.constant dense<0.000000e+00> : vector<1024xf32>
    %reduce_sum3A_52 = vector.multi_reduction <add>, %slice3A_48, %reduce_sum3A_51 [0] : vector<40x1024xf32> to vector<1024xf32>
    %mul3A_53 = arith.constant 4.8828125E-4 : f32
    %mul3A_54 = vector.broadcast %mul3A_53 : f32 to vector<1024xf32>
    %mul3A_55 = arith.mulf %reduce_sum3A_52, %mul3A_54 : vector<1024xf32>
    %sub3A_56 = arith.subf %reduce_max3A_50, %mul3A_55 : vector<1024xf32>
    %mul3A_57 = arith.constant 1024 : i32
    %mul3A_58 = arith.muli %arg1, %mul3A_57 : i32
    %swap3A_59 = arith.constant 1 : index
    %swap3A_60 = arith.index_cast %mul3A_58 : i32 to index
    %swap3A_61 = vector.load %arg13[%swap3A_59, %swap3A_60] : memref<16x2048xf32, #tpu.memory_space<vmem>>, vector<1x1024xf32>
    %swap3A_62 = vector.shape_cast %swap3A_61 : vector<1x1024xf32> to vector<1024xf32>
    %swap3A_63 = vector.shape_cast %sub3A_56 : vector<1024xf32> to vector<1x1024xf32>
    tpu.vector_store %arg13[%swap3A_59, %swap3A_60], %swap3A_63 {strides = array<i32>} : memref<16x2048xf32, #tpu.memory_space<vmem>>, vector<1x1024xf32>,
    %slice3A_64 = vector.extract_strided_slice %dot_general3A_36 {offsets = [80, 0], sizes = [40, 1024], strides = [1, 1]} : vector<480x1024xf32> to vector<40x1024xf32>
    %reduce_max3A_65 = arith.constant dense<0xFF800000> : vector<1024xf32>
    %reduce_max3A_66 = vector.multi_reduction <maximumf>, %slice3A_64, %reduce_max3A_65 [0] : vector<40x1024xf32> to vector<1024xf32>
    %reduce_sum3A_67 = arith.constant dense<0.000000e+00> : vector<1024xf32>
    %reduce_sum3A_68 = vector.multi_reduction <add>, %slice3A_64, %reduce_sum3A_67 [0] : vector<40x1024xf32> to vector<1024xf32>
    %mul3A_69 = arith.constant 4.8828125E-4 : f32
    %mul3A_70 = vector.broadcast %mul3A_69 : f32 to vector<1024xf32>
    %mul3A_71 = arith.mulf %reduce_sum3A_68, %mul3A_70 : vector<1024xf32>
    %sub3A_72 = arith.subf %reduce_max3A_66, %mul3A_71 : vector<1024xf32>
    %mul3A_73 = arith.constant 1024 : i32
    %mul3A_74 = arith.muli %arg1, %mul3A_73 : i32
    %swap3A_75 = arith.constant 2 : index
    %swap3A_76 = arith.index_cast %mul3A_74 : i32 to index
    %swap3A_77 = vector.load %arg13[%swap3A_75, %swap3A_76] : memref<16x2048xf32, #tpu.memory_space<vmem>>, vector<1x1024xf32>
    %swap3A_78 = vector.shape_cast %swap3A_77 : vector<1x1024xf32> to vector<1024xf32>
    %swap3A_79 = vector.shape_cast %sub3A_72 : vector<1024xf32> to vector<1x1024xf32>
    tpu.vector_store %arg13[%swap3A_75, %swap3A_76], %swap3A_79 {strides = array<i32>} : memref<16x2048xf32, #tpu.memory_space<vmem>>, vector<1x1024xf32>,
    %slice3A_80 = vector.extract_strided_slice %dot_general3A_36 {offsets = [120, 0], sizes = [40, 1024], strides = [1, 1]} : vector<480x1024xf32> to vector<40x1024xf32>
    %reduce_max3A_81 = arith.constant dense<0xFF800000> : vector<1024xf32>
    %reduce_max3A_82 = vector.multi_reduction <maximumf>, %slice3A_80, %reduce_max3A_81 [0] : vector<40x1024xf32> to vector<1024xf32>
    %reduce_sum3A_83 = arith.constant dense<0.000000e+00> : vector<1024xf32>
    %reduce_sum3A_84 = vector.multi_reduction <add>, %slice3A_80, %reduce_sum3A_83 [0] : vector<40x1024xf32> to vector<1024xf32>
    %mul3A_85 = arith.constant 4.8828125E-4 : f32
    %mul3A_86 = vector.broadcast %mul3A_85 : f32 to vector<1024xf32>
    %mul3A_87 = arith.mulf %reduce_sum3A_84, %mul3A_86 : vector<1024xf32>
    %sub3A_88 = arith.subf %reduce_max3A_82, %mul3A_87 : vector<1024xf32>
    %mul3A_89 = arith.constant 1024 : i32
    %mul3A_90 = arith.muli %arg1, %mul3A_89 : i32
    %swap3A_91 = arith.constant 3 : index
    %swap3A_92 = arith.index_cast %mul3A_90 : i32 to index
    %swap3A_93 = vector.load %arg13[%swap3A_91, %swap3A_92] : memref<16x2048xf32, #tpu.memory_space<vmem>>, vector<1x1024xf32>
    %swap3A_94 = vector.shape_cast %swap3A_93 : vector<1x1024xf32> to vector<1024xf32>
    %swap3A_95 = vector.shape_cast %sub3A_88 : vector<1024xf32> to vector<1x1024xf32>
    tpu.vector_store %arg13[%swap3A_91, %swap3A_92], %swap3A_95 {strides = array<i32>} : memref<16x2048xf32, #tpu.memory_space<vmem>>, vector<1x1024xf32>,
    %slice3A_96 = vector.extract_strided_slice %dot_general3A_36 {offsets = [160, 0], sizes = [40, 1024], strides = [1, 1]} : vector<480x1024xf32> to vector<40x1024xf32>
    %reduce_max3A_97 = arith.constant dense<0xFF800000> : vector<1024xf32>
    %reduce_max3A_98 = vector.multi_reduction <maximumf>, %slice3A_96, %reduce_max3A_97 [0] : vector<40x1024xf32> to vector<1024xf32>
    %reduce_sum3A_99 = arith.constant dense<0.000000e+00> : vector<1024xf32>
    %reduce_sum3A_100 = vector.multi_reduction <add>, %slice3A_96, %reduce_sum3A_99 [0] : vector<40x1024xf32> to vector<1024xf32>
    %mul3A_101 = arith.constant 4.8828125E-4 : f32
    %mul3A_102 = vector.broadcast %mul3A_101 : f32 to vector<1024xf32>
    %mul3A_103 = arith.mulf %reduce_sum3A_100, %mul3A_102 : vector<1024xf32>
    %sub3A_104 = arith.subf %reduce_max3A_98, %mul3A_103 : vector<1024xf32>
    %mul3A_105 = arith.constant 1024 : i32
    %mul3A_106 = arith.muli %arg1, %mul3A_105 : i32
    %swap3A_107 = arith.constant 4 : index
    %swap3A_108 = arith.index_cast %mul3A_106 : i32 to index
    %swap3A_109 = vector.load %arg13[%swap3A_107, %swap3A_108] : memref<16x2048xf32, #tpu.memory_space<vmem>>, vector<1x1024xf32>
    %swap3A_110 = vector.shape_cast %swap3A_109 : vector<1x1024xf32> to vector<1024xf32>
    %swap3A_111 = vector.shape_cast %sub3A_104 : vector<1024xf32> to vector<1x1024xf32>
    tpu.vector_store %arg13[%swap3A_107, %swap3A_108], %swap3A_111 {strides = array<i32>} : memref<16x2048xf32, #tpu.memory_space<vmem>>, vector<1x1024xf32>,
    %slice3A_112 = vector.extract_strided_slice %dot_general3A_36 {offsets = [200, 0], sizes = [40, 1024], strides = [1, 1]} : vector<480x1024xf32> to vector<40x1024xf32>
    %reduce_max3A_113 = arith.constant dense<0xFF800000> : vector<1024xf32>
    %reduce_max3A_114 = vector.multi_reduction <maximumf>, %slice3A_112, %reduce_max3A_113 [0] : vector<40x1024xf32> to vector<1024xf32>
    %reduce_sum3A_115 = arith.constant dense<0.000000e+00> : vector<1024xf32>
    %reduce_sum3A_116 = vector.multi_reduction <add>, %slice3A_112, %reduce_sum3A_115 [0] : vector<40x1024xf32> to vector<1024xf32>
    %mul3A_117 = arith.constant 4.8828125E-4 : f32
    %mul3A_118 = vector.broadcast %mul3A_117 : f32 to vector<1024xf32>
    %mul3A_119 = arith.mulf %reduce_sum3A_116, %mul3A_118 : vector<1024xf32>
    %sub3A_120 = arith.subf %reduce_max3A_114, %mul3A_119 : vector<1024xf32>
    %mul3A_121 = arith.constant 1024 : i32
    %mul3A_122 = arith.muli %arg1, %mul3A_121 : i32
    %swap3A_123 = arith.constant 5 : index
    %swap3A_124 = arith.index_cast %mul3A_122 : i32 to index
    %swap3A_125 = vector.load %arg13[%swap3A_123, %swap3A_124] : memref<16x2048xf32, #tpu.memory_space<vmem>>, vector<1x1024xf32>
    %swap3A_126 = vector.shape_cast %swap3A_125 : vector<1x1024xf32> to vector<1024xf32>
    %swap3A_127 = vector.shape_cast %sub3A_120 : vector<1024xf32> to vector<1x1024xf32>
    tpu.vector_store %arg13[%swap3A_123, %swap3A_124], %swap3A_127 {strides = array<i32>} : memref<16x2048xf32, #tpu.memory_space<vmem>>, vector<1x1024xf32>,
    %slice3A_128 = vector.extract_strided_slice %dot_general3A_36 {offsets = [240, 0], sizes = [40, 1024], strides = [1, 1]} : vector<480x1024xf32> to vector<40x1024xf32>
    %reduce_max3A_129 = arith.constant dense<0xFF800000> : vector<1024xf32>
    %reduce_max3A_130 = vector.multi_reduction <maximumf>, %slice3A_128, %reduce_max3A_129 [0] : vector<40x1024xf32> to vector<1024xf32>
    %reduce_sum3A_131 = arith.constant dense<0.000000e+00> : vector<1024xf32>
    %reduce_sum3A_132 = vector.multi_reduction <add>, %slice3A_128, %reduce_sum3A_131 [0] : vector<40x1024xf32> to vector<1024xf32>
    %mul3A_133 = arith.constant 4.8828125E-4 : f32
    %mul3A_134 = vector.broadcast %mul3A_133 : f32 to vector<1024xf32>
    %mul3A_135 = arith.mulf %reduce_sum3A_132, %mul3A_134 : vector<1024xf32>
    %sub3A_136 = arith.subf %reduce_max3A_130, %mul3A_135 : vector<1024xf32>
    %mul3A_137 = arith.constant 1024 : i32
    %mul3A_138 = arith.muli %arg1, %mul3A_137 : i32
    %swap3A_139 = arith.constant 6 : index
    %swap3A_140 = arith.index_cast %mul3A_138 : i32 to index
    %swap3A_141 = vector.load %arg13[%swap3A_139, %swap3A_140] : memref<16x2048xf32, #tpu.memory_space<vmem>>, vector<1x1024xf32>
    %swap3A_142 = vector.shape_cast %swap3A_141 : vector<1x1024xf32> to vector<1024xf32>
    %swap3A_143 = vector.shape_cast %sub3A_136 : vector<1024xf32> to vector<1x1024xf32>
    tpu.vector_store %arg13[%swap3A_139, %swap3A_140], %swap3A_143 {strides = array<i32>} : memref<16x2048xf32, #tpu.memory_space<vmem>>, vector<1x1024xf32>,
    %slice3A_144 = vector.extract_strided_slice %dot_general3A_36 {offsets = [280, 0], sizes = [40, 1024], strides = [1, 1]} : vector<480x1024xf32> to vector<40x1024xf32>
    %reduce_max3A_145 = arith.constant dense<0xFF800000> : vector<1024xf32>
    %reduce_max3A_146 = vector.multi_reduction <maximumf>, %slice3A_144, %reduce_max3A_145 [0] : vector<40x1024xf32> to vector<1024xf32>
    %reduce_sum3A_147 = arith.constant dense<0.000000e+00> : vector<1024xf32>
    %reduce_sum3A_148 = vector.multi_reduction <add>, %slice3A_144, %reduce_sum3A_147 [0] : vector<40x1024xf32> to vector<1024xf32>
    %mul3A_149 = arith.constant 4.8828125E-4 : f32
    %mul3A_150 = vector.broadcast %mul3A_149 : f32 to vector<1024xf32>
    %mul3A_151 = arith.mulf %reduce_sum3A_148, %mul3A_150 : vector<1024xf32>
    %sub3A_152 = arith.subf %reduce_max3A_146, %mul3A_151 : vector<1024xf32>
    %mul3A_153 = arith.constant 1024 : i32
    %mul3A_154 = arith.muli %arg1, %mul3A_153 : i32
    %swap3A_155 = arith.constant 7 : index
    %swap3A_156 = arith.index_cast %mul3A_154 : i32 to index
    %swap3A_157 = vector.load %arg13[%swap3A_155, %swap3A_156] : memref<16x2048xf32, #tpu.memory_space<vmem>>, vector<1x1024xf32>
    %swap3A_158 = vector.shape_cast %swap3A_157 : vector<1x1024xf32> to vector<1024xf32>
    %swap3A_159 = vector.shape_cast %sub3A_152 : vector<1024xf32> to vector<1x1024xf32>
    tpu.vector_store %arg13[%swap3A_155, %swap3A_156], %swap3A_159 {strides = array<i32>} : memref<16x2048xf32, #tpu.memory_space<vmem>>, vector<1x1024xf32>,
    %slice3A_160 = vector.extract_strided_slice %dot_general3A_36 {offsets = [320, 0], sizes = [40, 1024], strides = [1, 1]} : vector<480x1024xf32> to vector<40x1024xf32>
    %reduce_max3A_161 = arith.constant dense<0xFF800000> : vector<1024xf32>
    %reduce_max3A_162 = vector.multi_reduction <maximumf>, %slice3A_160, %reduce_max3A_161 [0] : vector<40x1024xf32> to vector<1024xf32>
    %reduce_sum3A_163 = arith.constant dense<0.000000e+00> : vector<1024xf32>
    %reduce_sum3A_164 = vector.multi_reduction <add>, %slice3A_160, %reduce_sum3A_163 [0] : vector<40x1024xf32> to vector<1024xf32>
    %mul3A_165 = arith.constant 4.8828125E-4 : f32
    %mul3A_166 = vector.broadcast %mul3A_165 : f32 to vector<1024xf32>
    %mul3A_167 = arith.mulf %reduce_sum3A_164, %mul3A_166 : vector<1024xf32>
    %sub3A_168 = arith.subf %reduce_max3A_162, %mul3A_167 : vector<1024xf32>
    %mul3A_169 = arith.constant 1024 : i32
    %mul3A_170 = arith.muli %arg1, %mul3A_169 : i32
    %swap3A_171 = arith.constant 8 : index
    %swap3A_172 = arith.index_cast %mul3A_170 : i32 to index
    %swap3A_173 = vector.load %arg13[%swap3A_171, %swap3A_172] : memref<16x2048xf32, #tpu.memory_space<vmem>>, vector<1x1024xf32>
    %swap3A_174 = vector.shape_cast %swap3A_173 : vector<1x1024xf32> to vector<1024xf32>
    %swap3A_175 = vector.shape_cast %sub3A_168 : vector<1024xf32> to vector<1x1024xf32>
    tpu.vector_store %arg13[%swap3A_171, %swap3A_172], %swap3A_175 {strides = array<i32>} : memref<16x2048xf32, #tpu.memory_space<vmem>>, vector<1x1024xf32>,
    %slice3A_176 = vector.extract_strided_slice %dot_general3A_36 {offsets = [360, 0], sizes = [40, 1024], strides = [1, 1]} : vector<480x1024xf32> to vector<40x1024xf32>
    %reduce_max3A_177 = arith.constant dense<0xFF800000> : vector<1024xf32>
    %reduce_max3A_178 = vector.multi_reduction <maximumf>, %slice3A_176, %reduce_max3A_177 [0] : vector<40x1024xf32> to vector<1024xf32>
    %reduce_sum3A_179 = arith.constant dense<0.000000e+00> : vector<1024xf32>
    %reduce_sum3A_180 = vector.multi_reduction <add>, %slice3A_176, %reduce_sum3A_179 [0] : vector<40x1024xf32> to vector<1024xf32>
    %mul3A_181 = arith.constant 4.8828125E-4 : f32
    %mul3A_182 = vector.broadcast %mul3A_181 : f32 to vector<1024xf32>
    %mul3A_183 = arith.mulf %reduce_sum3A_180, %mul3A_182 : vector<1024xf32>
    %sub3A_184 = arith.subf %reduce_max3A_178, %mul3A_183 : vector<1024xf32>
    %mul3A_185 = arith.constant 1024 : i32
    %mul3A_186 = arith.muli %arg1, %mul3A_185 : i32
    %swap3A_187 = arith.constant 9 : index
    %swap3A_188 = arith.index_cast %mul3A_186 : i32 to index
    %swap3A_189 = vector.load %arg13[%swap3A_187, %swap3A_188] : memref<16x2048xf32, #tpu.memory_space<vmem>>, vector<1x1024xf32>
    %swap3A_190 = vector.shape_cast %swap3A_189 : vector<1x1024xf32> to vector<1024xf32>
    %swap3A_191 = vector.shape_cast %sub3A_184 : vector<1024xf32> to vector<1x1024xf32>
    tpu.vector_store %arg13[%swap3A_187, %swap3A_188], %swap3A_191 {strides = array<i32>} : memref<16x2048xf32, #tpu.memory_space<vmem>>, vector<1x1024xf32>,
    %slice3A_192 = vector.extract_strided_slice %dot_general3A_36 {offsets = [400, 0], sizes = [40, 1024], strides = [1, 1]} : vector<480x1024xf32> to vector<40x1024xf32>
    %reduce_max3A_193 = arith.constant dense<0xFF800000> : vector<1024xf32>
    %reduce_max3A_194 = vector.multi_reduction <maximumf>, %slice3A_192, %reduce_max3A_193 [0] : vector<40x1024xf32> to vector<1024xf32>
    %reduce_sum3A_195 = arith.constant dense<0.000000e+00> : vector<1024xf32>
    %reduce_sum3A_196 = vector.multi_reduction <add>, %slice3A_192, %reduce_sum3A_195 [0] : vector<40x1024xf32> to vector<1024xf32>
    %mul3A_197 = arith.constant 4.8828125E-4 : f32
    %mul3A_198 = vector.broadcast %mul3A_197 : f32 to vector<1024xf32>
    %mul3A_199 = arith.mulf %reduce_sum3A_196, %mul3A_198 : vector<1024xf32>
    %sub3A_200 = arith.subf %reduce_max3A_194, %mul3A_199 : vector<1024xf32>
    %mul3A_201 = arith.constant 1024 : i32
    %mul3A_202 = arith.muli %arg1, %mul3A_201 : i32
    %swap3A_203 = arith.constant 10 : index
    %swap3A_204 = arith.index_cast %mul3A_202 : i32 to index
    %swap3A_205 = vector.load %arg13[%swap3A_203, %swap3A_204] : memref<16x2048xf32, #tpu.memory_space<vmem>>, vector<1x1024xf32>
    %swap3A_206 = vector.shape_cast %swap3A_205 : vector<1x1024xf32> to vector<1024xf32>
    %swap3A_207 = vector.shape_cast %sub3A_200 : vector<1024xf32> to vector<1x1024xf32>
    tpu.vector_store %arg13[%swap3A_203, %swap3A_204], %swap3A_207 {strides = array<i32>} : memref<16x2048xf32, #tpu.memory_space<vmem>>, vector<1x1024xf32>,
    %slice3A_208 = vector.extract_strided_slice %dot_general3A_36 {offsets = [440, 0], sizes = [40, 1024], strides = [1, 1]} : vector<480x1024xf32> to vector<40x1024xf32>
    %reduce_max3A_209 = arith.constant dense<0xFF800000> : vector<1024xf32>
    %reduce_max3A_210 = vector.multi_reduction <maximumf>, %slice3A_208, %reduce_max3A_209 [0] : vector<40x1024xf32> to vector<1024xf32>
    %reduce_sum3A_211 = arith.constant dense<0.000000e+00> : vector<1024xf32>
    %reduce_sum3A_212 = vector.multi_reduction <add>, %slice3A_208, %reduce_sum3A_211 [0] : vector<40x1024xf32> to vector<1024xf32>
    %mul3A_213 = arith.constant 4.8828125E-4 : f32
    %mul3A_214 = vector.broadcast %mul3A_213 : f32 to vector<1024xf32>
    %mul3A_215 = arith.mulf %reduce_sum3A_212, %mul3A_214 : vector<1024xf32>
    %sub3A_216 = arith.subf %reduce_max3A_210, %mul3A_215 : vector<1024xf32>
    %mul3A_217 = arith.constant 1024 : i32
    %mul3A_218 = arith.muli %arg1, %mul3A_217 : i32
    %swap3A_219 = arith.constant 11 : index
    %swap3A_220 = arith.index_cast %mul3A_218 : i32 to index
    %swap3A_221 = vector.load %arg13[%swap3A_219, %swap3A_220] : memref<16x2048xf32, #tpu.memory_space<vmem>>, vector<1x1024xf32>
    %swap3A_222 = vector.shape_cast %swap3A_221 : vector<1x1024xf32> to vector<1024xf32>
    %swap3A_223 = vector.shape_cast %sub3A_216 : vector<1024xf32> to vector<1x1024xf32>
    tpu.vector_store %arg13[%swap3A_219, %swap3A_220], %swap3A_223 {strides = array<i32>} : memref<16x2048xf32, #tpu.memory_space<vmem>>, vector<1x1024xf32>,
    %get3A_224 = arith.constant 0 : index
    %get3A_225 = arith.constant 0 : index
    %get3A_226 = vector.load %arg7[%get3A_224, %get3A_225] : memref<8x768xf32, #tpu.memory_space<vmem>>, vector<1x768xf32>
    %mul3A_227 = vector.broadcast %get3A_226 : vector<1x768xf32> to vector<1024x768xf32>
    %mul3A_228 = arith.mulf %dot_general3A_19, %mul3A_227 : vector<1024x768xf32>
    %slice3A_229 = vector.extract_strided_slice %mul3A_228 {offsets = [0, 0], sizes = [1024, 128], strides = [1, 1]} : vector<1024x768xf32> to vector<1024x128xf32>
    %slice3A_230 = vector.extract_strided_slice %mul3A_228 {offsets = [0, 128], sizes = [1024, 128], strides = [1, 1]} : vector<1024x768xf32> to vector<1024x128xf32>
    %add3A = arith.addf %slice3A_229, %slice3A_230 : vector<1024x128xf32>
    %slice3A_231 = vector.extract_strided_slice %mul3A_228 {offsets = [0, 256], sizes = [1024, 128], strides = [1, 1]} : vector<1024x768xf32> to vector<1024x128xf32>
    %add3A_232 = arith.addf %add3A, %slice3A_231 : vector<1024x128xf32>
    %slice3A_233 = vector.extract_strided_slice %mul3A_228 {offsets = [0, 384], sizes = [1024, 128], strides = [1, 1]} : vector<1024x768xf32> to vector<1024x128xf32>
    %add3A_234 = arith.addf %add3A_232, %slice3A_233 : vector<1024x128xf32>
    %slice3A_235 = vector.extract_strided_slice %mul3A_228 {offsets = [0, 512], sizes = [1024, 128], strides = [1, 1]} : vector<1024x768xf32> to vector<1024x128xf32>
    %add3A_236 = arith.addf %add3A_234, %slice3A_235 : vector<1024x128xf32>
    %slice3A_237 = vector.extract_strided_slice %mul3A_228 {offsets = [0, 640], sizes = [1024, 128], strides = [1, 1]} : vector<1024x768xf32> to vector<1024x128xf32>
    %add3A_238 = arith.addf %add3A_236, %slice3A_237 : vector<1024x128xf32>
    %slice3A_239 = vector.extract_strided_slice %add3A_238 {offsets = [0, 0], sizes = [1024, 64], strides = [1, 1]} : vector<1024x128xf32> to vector<1024x64xf32>
    %slice3A_240 = vector.extract_strided_slice %add3A_238 {offsets = [0, 64], sizes = [1024, 64], strides = [1, 1]} : vector<1024x128xf32> to vector<1024x64xf32>
    %add3A_241 = arith.addf %slice3A_239, %slice3A_240 : vector<1024x64xf32>
    %iota3A = tpu.iota {dimensions = array<i32: 0>} : vector<512x512xi32>
    %iota3A_242 = tpu.iota {dimensions = array<i32: 1>} : vector<512x512xi32>
    %ge3A_243 = arith.cmpi sge, %iota3A, %iota3A_242 : vector<512x512xi32>
    %convert_element_type3A_244 = arith.extui %ge3A_243 : vector<512x512xi1> to vector<512x512xi32>
    %convert_element_type3A_245 = arith.sitofp %convert_element_type3A_244 : vector<512x512xi32> to vector<512x512xf32>
    %get3A_246 = arith.constant 0 : index
    %get3A_247 = arith.constant 0 : index
    %get3A_248 = vector.load %arg14[%get3A_246, %get3A_247] : memref<8x64xf32, #tpu.memory_space<vmem>>, vector<1x64xf32>
    %slice3A_249 = vector.extract_strided_slice %add3A_241 {offsets = [0, 0], sizes = [512, 64], strides = [1, 1]} : vector<1024x64xf32> to vector<512x64xf32>
    %dot_general3A_250 = arith.constant dense<0.000000e+00> : vector<512x64xf32>
    %dot_general3A_251 = tpu.matmul %convert_element_type3A_245, %slice3A_249, %dot_general3A_250 {dimension_numbers = #tpu.dot_dimension_numbers<[1], [0], [0], [1], [0, 0, 1, 1], [], []>, transpose_lhs_hint = false} : vector<512x512xf32>, vector<512x64xf32>, vector<512x64xf32> -> vector<512x64xf32>
    %add3A_252 = vector.broadcast %get3A_248 : vector<1x64xf32> to vector<512x64xf32>
    %add3A_253 = arith.addf %dot_general3A_251, %add3A_252 : vector<512x64xf32>
    %reduce_sum3A_254 = arith.constant dense<0.000000e+00> : vector<64xf32>
    %reduce_sum3A_255 = vector.multi_reduction <add>, %slice3A_249, %reduce_sum3A_254 [0] : vector<512x64xf32> to vector<64xf32>
    %broadcast_in_dim3A = vector.shape_cast %reduce_sum3A_255 : vector<64xf32> to vector<1x64xf32>
    %add3A_256 = arith.addf %get3A_248, %broadcast_in_dim3A : vector<1x64xf32>
    %slice3A_257 = vector.extract_strided_slice %add3A_241 {offsets = [512, 0], sizes = [512, 64], strides = [1, 1]} : vector<1024x64xf32> to vector<512x64xf32>
    %dot_general3A_258 = arith.constant dense<0.000000e+00> : vector<512x64xf32>
    %dot_general3A_259 = tpu.matmul %convert_element_type3A_245, %slice3A_257, %dot_general3A_258 {dimension_numbers = #tpu.dot_dimension_numbers<[1], [0], [0], [1], [0, 0, 1, 1], [], []>, transpose_lhs_hint = false} : vector<512x512xf32>, vector<512x64xf32>, vector<512x64xf32> -> vector<512x64xf32>
    %add3A_260 = vector.broadcast %add3A_256 : vector<1x64xf32> to vector<512x64xf32>
    %add3A_261 = arith.addf %dot_general3A_259, %add3A_260 : vector<512x64xf32>
    %reduce_sum3A_262 = arith.constant dense<0.000000e+00> : vector<64xf32>
    %reduce_sum3A_263 = vector.multi_reduction <add>, %slice3A_257, %reduce_sum3A_262 [0] : vector<512x64xf32> to vector<64xf32>
    %broadcast_in_dim3A_264 = vector.shape_cast %reduce_sum3A_263 : vector<64xf32> to vector<1x64xf32>
    %add3A_265 = arith.addf %add3A_256, %broadcast_in_dim3A_264 : vector<1x64xf32>
    %swap3A_266 = arith.constant 0 : index
    %swap3A_267 = arith.constant 0 : index
    %swap3A_268 = vector.load %arg14[%swap3A_266, %swap3A_267] : memref<8x64xf32, #tpu.memory_space<vmem>>, vector<1x64xf32>
    tpu.vector_store %arg14[%swap3A_266, %swap3A_267], %add3A_265 {strides = array<i32>} : memref<8x64xf32, #tpu.memory_space<vmem>>, vector<1x64xf32>,
    %concatenate3A = tpu.concatenate %add3A_253, %add3A_261 in 0 : vector<512x64xf32>, vector<512x64xf32> -> vector<1024x64xf32>
    %swap3A_269 = arith.constant 0 : index
    %swap3A_270 = arith.constant 0 : index
    %swap3A_271 = arith.constant 0 : index
    %swap3A_272 = arith.constant 0 : index
    %swap3A_273 = vector.load %arg12[%swap3A_269, %swap3A_270, %swap3A_271, %swap3A_272] : memref<1x1x1024x64xf32, #tpu.memory_space<vmem>>, vector<1x1x1024x64xf32>
    %swap3A_274 = vector.shape_cast %swap3A_273 : vector<1x1x1024x64xf32> to vector<1024x64xf32>
    %swap3A_275 = vector.shape_cast %concatenate3A : vector<1024x64xf32> to vector<1x1x1024x64xf32>
    tpu.vector_store %arg12[%swap3A_269, %swap3A_270, %swap3A_271, %swap3A_272], %swap3A_275 {strides = array<i32>} : memref<1x1x1024x64xf32, #tpu.memory_space<vmem>>, vector<1x1x1024x64xf32>,
    %eq3A_276 = arith.constant 1 : i32
    %eq3A_277 = arith.cmpi eq, %arg1, %eq3A_276 : i32
    %convert_element_type3A_278 = arith.extui %eq3A_277 : i1 to i32
    %cond3A_279 = arith.constant 0 : i32
    %cond3A_280 = arith.cmpi ne, %convert_element_type3A_278, %cond3A_279 : i32
    scf.if %cond3A_280 {
      %iota3A_281 = tpu.iota {dimensions = array<i32: 0>} : vector<16x2048xi32>
      %iota3A_282 = tpu.iota {dimensions = array<i32: 1>} : vector<16x2048xi32>
      %iota3A_283 = tpu.iota {dimensions = array<i32: 1>} : vector<16x128xi32>
      %lt3A = arith.constant 12 : i32
      %lt3A_284 = vector.broadcast %lt3A : i32 to vector<16x2048xi32>
      %lt3A_285 = arith.cmpi slt, %iota3A_281, %lt3A_284 : vector<16x2048xi32>
      %get3A_286 = arith.constant 0 : index
      %get3A_287 = arith.constant 0 : index
      %get3A_288 = vector.load %arg13[%get3A_286, %get3A_287] : memref<16x2048xf32, #tpu.memory_space<vmem>>, vector<16x2048xf32>
      %jit3A = arith.constant 0xFF800000 : f32
      %broadcast_in_dim3A_289 = vector.broadcast %jit3A : f32 to vector<16x2048xf32>
      %select_n3A = arith.select %lt3A_285, %get3A_288, %broadcast_in_dim3A_289 : vector<16x2048xi1>, vector<16x2048xf32>
      %broadcast_in_dim3A_290 = arith.constant 0 : i32
      %broadcast_in_dim3A_291 = vector.broadcast %broadcast_in_dim3A_290 : i32 to vector<16x128xi32>
      %scan3A = arith.constant 0 : i32
      %scan3A_292 = arith.constant 40 : i32
      %scan3A_293 = arith.addi %scan3A, %scan3A_292 : i32
      %scan3A_294 = arith.constant 1 : i32
      %scan3A_295:2 = scf.for %scan3A_334 = %scan3A to %scan3A_293 step %scan3A_294 iter_args(%scan3A_335 = %select_n3A, %scan3A_336 = %broadcast_in_dim3A_291) -> (vector<16x2048xf32>, vector<16x128xi32>)  : i32 {
        %reduce_max3A_337 = arith.constant dense<0xFF800000> : vector<16xf32>
        %reduce_max3A_338 = vector.multi_reduction <maximumf>, %scan3A_335, %reduce_max3A_337 [1] : vector<16x2048xf32> to vector<16xf32>
        %broadcast_in_dim3A_339 = vector.shape_cast %reduce_max3A_338 : vector<16xf32> to vector<16x1xf32>
        %eq3A_340 = vector.broadcast %broadcast_in_dim3A_339 : vector<16x1xf32> to vector<16x2048xf32>
        %eq3A_341 = arith.cmpf oeq, %scan3A_335, %eq3A_340 : vector<16x2048xf32>
        %jit3A_342 = arith.constant 2048 : i32
        %broadcast_in_dim3A_343 = vector.broadcast %jit3A_342 : i32 to vector<16x2048xi32>
        %select_n3A_344 = arith.select %eq3A_341, %iota3A_282, %broadcast_in_dim3A_343 : vector<16x2048xi1>, vector<16x2048xi32>
        %reduce_min3A = arith.constant dense<2147483647> : vector<16xi32>
        %reduce_min3A_345 = vector.multi_reduction <minsi>, %select_n3A_344, %reduce_min3A [1] : vector<16x2048xi32> to vector<16xi32>
        %broadcast_in_dim3A_346 = vector.shape_cast %reduce_min3A_345 : vector<16xi32> to vector<16x1xi32>
        %eq3A_347 = vector.broadcast %scan3A_334 : i32 to vector<16x128xi32>
        %eq3A_348 = arith.cmpi eq, %iota3A_283, %eq3A_347 : vector<16x128xi32>
        %broadcast_in_dim3A_349 = vector.shape_cast %broadcast_in_dim3A_346 : vector<16x1xi32> to vector<16x1xi32>
        %broadcast_in_dim3A_350 = vector.broadcast %broadcast_in_dim3A_349 : vector<16x1xi32> to vector<16x128xi32>
        %select_n3A_351 = arith.select %eq3A_348, %broadcast_in_dim3A_350, %scan3A_336 : vector<16x128xi1>, vector<16x128xi32>
        %eq3A_352 = vector.broadcast %broadcast_in_dim3A_346 : vector<16x1xi32> to vector<16x2048xi32>
        %eq3A_353 = arith.cmpi eq, %iota3A_282, %eq3A_352 : vector<16x2048xi32>
        %jit3A_354 = arith.constant 0xFF800000 : f32
        %broadcast_in_dim3A_355 = vector.broadcast %jit3A_354 : f32 to vector<16x2048xf32>
        %select_n3A_356 = arith.select %eq3A_353, %broadcast_in_dim3A_355, %scan3A_335 : vector<16x2048xi1>, vector<16x2048xf32>
        scf.yield %select_n3A_356, %select_n3A_351 : vector<16x2048xf32>, vector<16x128xi32>
      }
      %scan3A_296 = arith.constant 40 : i32
      %swap3A_297 = arith.constant 0 : index
      %swap3A_298 = arith.constant 0 : index
      %swap3A_299 = arith.constant 0 : index
      %swap3A_300 = arith.constant 0 : index
      %swap3A_301 = vector.load %arg10[%swap3A_297, %swap3A_298, %swap3A_299, %swap3A_300] : memref<1x1x16x128xi32, #tpu.memory_space<vmem>>, vector<1x1x16x128xi32>
      %swap3A_302 = vector.shape_cast %swap3A_301 : vector<1x1x16x128xi32> to vector<16x128xi32>
      %swap3A_303 = vector.shape_cast %scan3A_295#1 : vector<16x128xi32> to vector<1x1x16x128xi32>
      tpu.vector_store %arg10[%swap3A_297, %swap3A_298, %swap3A_299, %swap3A_300], %swap3A_303 {strides = array<i32>} : memref<1x1x16x128xi32, #tpu.memory_space<vmem>>, vector<1x1x16x128xi32>,
      %jit3A_304 = arith.constant 4 : i32
      %eq3A_305 = arith.constant 0 : i32
      %eq3A_306 = arith.cmpi eq, %jit3A_304, %eq3A_305 : i32
      %jit3A_307 = arith.constant 1 : i32
      %select_n3A_308 = arith.select %eq3A_306, %jit3A_307, %jit3A_304 : i32
      %rem3A = arith.remsi %arg0, %select_n3A_308 : i32
      %ne3A = arith.constant 0 : i32
      %ne3A_309 = arith.cmpi ne, %rem3A, %ne3A : i32
      %lt3A_310 = arith.constant 0 : i32
      %lt3A_311 = arith.cmpi slt, %rem3A, %lt3A_310 : i32
      %lt3A_312 = arith.constant 0 : i32
      %lt3A_313 = arith.cmpi slt, %select_n3A_308, %lt3A_312 : i32
      %ne3A_314 = arith.xori %lt3A_311, %lt3A_313 : i1
      %and3A = arith.andi %ne3A_314, %ne3A_309 : i1
      %add3A_315 = arith.addi %rem3A, %select_n3A_308 : i32
      %select_n3A_316 = arith.select %and3A, %add3A_315, %rem3A : i32
      %iota3A_317 = tpu.iota {dimensions = array<i32: 0>} : vector<16x128xi32>
      %mul3A_318 = arith.constant 2048 : i32
      %mul3A_319 = arith.muli %select_n3A_316, %mul3A_318 : i32
      %add3A_320 = vector.broadcast %mul3A_319 : i32 to vector<16x128xi32>
      %add3A_321 = arith.addi %add3A_320, %scan3A_295#1 : vector<16x128xi32>
      %mul3A_322 = arith.constant 12 : i32
      %mul3A_323 = vector.broadcast %mul3A_322 : i32 to vector<16x128xi32>
      %mul3A_324 = arith.muli %add3A_321, %mul3A_323 : vector<16x128xi32>
      %add3A_325 = arith.addi %mul3A_324, %iota3A_317 : vector<16x128xi32>
      %slice3A_326 = vector.extract_strided_slice %add3A_325 {offsets = [0, 0], sizes = [12, 40], strides = [1, 1]} : vector<16x128xi32> to vector<12x40xi32>
      %swap3A_327 = arith.constant 0 : index
      %swap3A_328 = arith.constant 0 : index
      %swap3A_329 = arith.constant 0 : index
      %swap3A_330 = arith.constant 0 : index
      %swap3A_331 = vector.load %arg11[%swap3A_327, %swap3A_328, %swap3A_329, %swap3A_330] : memref<1x1x12x40xi32, #tpu.memory_space<vmem>>, vector<1x1x12x40xi32>
      %swap3A_332 = vector.shape_cast %swap3A_331 : vector<1x1x12x40xi32> to vector<12x40xi32>
      %swap3A_333 = vector.shape_cast %slice3A_326 : vector<12x40xi32> to vector<1x1x12x40xi32>
      tpu.vector_store %arg11[%swap3A_327, %swap3A_328, %swap3A_329, %swap3A_330], %swap3A_333 {strides = array<i32>} : memref<1x1x12x40xi32, #tpu.memory_space<vmem>>, vector<1x1x12x40xi32>,
    } else {
    }
    return
  }
  func.func @transform_0(%arg0: i32, %arg1: i32) -> (i32, i32, i32, i32) {
    %jit3A = arith.constant 4 : i32
    %div3A = arith.divsi %arg0, %jit3A : i32
    %sign3A = arith.constant 0 : i32
    %sign3A_0 = arith.cmpi sgt, %arg0, %sign3A : i32
    %sign3A_1 = arith.extui %sign3A_0 : i1 to i32
    %sign3A_2 = arith.constant 0 : i32
    %sign3A_3 = arith.cmpi slt, %arg0, %sign3A_2 : i32
    %sign3A_4 = arith.extui %sign3A_3 : i1 to i32
    %sign3A_5 = arith.subi %sign3A_1, %sign3A_4 : i32
    %sign3A_6 = arith.constant 0 : i32
    %sign3A_7 = arith.cmpi sgt, %jit3A, %sign3A_6 : i32
    %sign3A_8 = arith.extui %sign3A_7 : i1 to i32
    %sign3A_9 = arith.constant 0 : i32
    %sign3A_10 = arith.cmpi slt, %jit3A, %sign3A_9 : i32
    %sign3A_11 = arith.extui %sign3A_10 : i1 to i32
    %sign3A_12 = arith.subi %sign3A_8, %sign3A_11 : i32
    %ne3A = arith.cmpi ne, %sign3A_5, %sign3A_12 : i32
    %rem3A = arith.remsi %arg0, %jit3A : i32
    %ne3A_13 = arith.constant 0 : i32
    %ne3A_14 = arith.cmpi ne, %rem3A, %ne3A_13 : i32
    %and3A = arith.andi %ne3A, %ne3A_14 : i1
    %sub3A = arith.constant 1 : i32
    %sub3A_15 = arith.subi %div3A, %sub3A : i32
    %select_n3A = arith.select %and3A, %sub3A_15, %div3A : i32
    %sub3A_16 = arith.constant 1 : i32
    %sub3A_17 = arith.subi %sub3A_16, %select_n3A : i32
    %jit3A_18 = arith.constant 4 : i32
    %eq3A = arith.constant 0 : i32
    %eq3A_19 = arith.cmpi eq, %jit3A_18, %eq3A : i32
    %jit3A_20 = arith.constant 1 : i32
    %select_n3A_21 = arith.select %eq3A_19, %jit3A_20, %jit3A_18 : i32
    %rem3A_22 = arith.remsi %arg0, %select_n3A_21 : i32
    %ne3A_23 = arith.constant 0 : i32
    %ne3A_24 = arith.cmpi ne, %rem3A_22, %ne3A_23 : i32
    %lt3A = arith.constant 0 : i32
    %lt3A_25 = arith.cmpi slt, %rem3A_22, %lt3A : i32
    %lt3A_26 = arith.constant 0 : i32
    %lt3A_27 = arith.cmpi slt, %select_n3A_21, %lt3A_26 : i32
    %ne3A_28 = arith.xori %lt3A_25, %lt3A_27 : i1
    %and3A_29 = arith.andi %ne3A_28, %ne3A_24 : i1
    %add3A = arith.addi %rem3A_22, %select_n3A_21 : i32
    %select_n3A_30 = arith.select %and3A_29, %add3A, %rem3A_22 : i32
    %c0_i32 = arith.constant 0 : i32
    %c0_i32_31 = arith.constant 0 : i32
    return %sub3A_17, %select_n3A_30, %arg1, %c0_i32 : i32, i32, i32, i32
  }
  func.func @transform_1(%arg0: i32, %arg1: i32) -> (i32, i32, i32, i32) {
    %jit3A = arith.constant 4 : i32
    %div3A = arith.divsi %arg0, %jit3A : i32
    %sign3A = arith.constant 0 : i32
    %sign3A_0 = arith.cmpi sgt, %arg0, %sign3A : i32
    %sign3A_1 = arith.extui %sign3A_0 : i1 to i32
    %sign3A_2 = arith.constant 0 : i32
    %sign3A_3 = arith.cmpi slt, %arg0, %sign3A_2 : i32
    %sign3A_4 = arith.extui %sign3A_3 : i1 to i32
    %sign3A_5 = arith.subi %sign3A_1, %sign3A_4 : i32
    %sign3A_6 = arith.constant 0 : i32
    %sign3A_7 = arith.cmpi sgt, %jit3A, %sign3A_6 : i32
    %sign3A_8 = arith.extui %sign3A_7 : i1 to i32
    %sign3A_9 = arith.constant 0 : i32
    %sign3A_10 = arith.cmpi slt, %jit3A, %sign3A_9 : i32
    %sign3A_11 = arith.extui %sign3A_10 : i1 to i32
    %sign3A_12 = arith.subi %sign3A_8, %sign3A_11 : i32
    %ne3A = arith.cmpi ne, %sign3A_5, %sign3A_12 : i32
    %rem3A = arith.remsi %arg0, %jit3A : i32
    %ne3A_13 = arith.constant 0 : i32
    %ne3A_14 = arith.cmpi ne, %rem3A, %ne3A_13 : i32
    %and3A = arith.andi %ne3A, %ne3A_14 : i1
    %sub3A = arith.constant 1 : i32
    %sub3A_15 = arith.subi %div3A, %sub3A : i32
    %select_n3A = arith.select %and3A, %sub3A_15, %div3A : i32
    %sub3A_16 = arith.constant 1 : i32
    %sub3A_17 = arith.subi %sub3A_16, %select_n3A : i32
    %jit3A_18 = arith.constant 4 : i32
    %eq3A = arith.constant 0 : i32
    %eq3A_19 = arith.cmpi eq, %jit3A_18, %eq3A : i32
    %jit3A_20 = arith.constant 1 : i32
    %select_n3A_21 = arith.select %eq3A_19, %jit3A_20, %jit3A_18 : i32
    %rem3A_22 = arith.remsi %arg0, %select_n3A_21 : i32
    %ne3A_23 = arith.constant 0 : i32
    %ne3A_24 = arith.cmpi ne, %rem3A_22, %ne3A_23 : i32
    %lt3A = arith.constant 0 : i32
    %lt3A_25 = arith.cmpi slt, %rem3A_22, %lt3A : i32
    %lt3A_26 = arith.constant 0 : i32
    %lt3A_27 = arith.cmpi slt, %select_n3A_21, %lt3A_26 : i32
    %ne3A_28 = arith.xori %lt3A_25, %lt3A_27 : i1
    %and3A_29 = arith.andi %ne3A_28, %ne3A_24 : i1
    %add3A = arith.addi %rem3A_22, %select_n3A_21 : i32
    %select_n3A_30 = arith.select %and3A_29, %add3A, %rem3A_22 : i32
    %c0_i32 = arith.constant 0 : i32
    %c0_i32_31 = arith.constant 0 : i32
    return %sub3A_17, %select_n3A_30, %arg1, %c0_i32 : i32, i32, i32, i32
  }
  func.func @transform_2(%arg0: i32, %arg1: i32) -> (i32, i32, i32, i32) {
    %jit3A = arith.constant 4 : i32
    %div3A = arith.divsi %arg0, %jit3A : i32
    %sign3A = arith.constant 0 : i32
    %sign3A_0 = arith.cmpi sgt, %arg0, %sign3A : i32
    %sign3A_1 = arith.extui %sign3A_0 : i1 to i32
    %sign3A_2 = arith.constant 0 : i32
    %sign3A_3 = arith.cmpi slt, %arg0, %sign3A_2 : i32
    %sign3A_4 = arith.extui %sign3A_3 : i1 to i32
    %sign3A_5 = arith.subi %sign3A_1, %sign3A_4 : i32
    %sign3A_6 = arith.constant 0 : i32
    %sign3A_7 = arith.cmpi sgt, %jit3A, %sign3A_6 : i32
    %sign3A_8 = arith.extui %sign3A_7 : i1 to i32
    %sign3A_9 = arith.constant 0 : i32
    %sign3A_10 = arith.cmpi slt, %jit3A, %sign3A_9 : i32
    %sign3A_11 = arith.extui %sign3A_10 : i1 to i32
    %sign3A_12 = arith.subi %sign3A_8, %sign3A_11 : i32
    %ne3A = arith.cmpi ne, %sign3A_5, %sign3A_12 : i32
    %rem3A = arith.remsi %arg0, %jit3A : i32
    %ne3A_13 = arith.constant 0 : i32
    %ne3A_14 = arith.cmpi ne, %rem3A, %ne3A_13 : i32
    %and3A = arith.andi %ne3A, %ne3A_14 : i1
    %sub3A = arith.constant 1 : i32
    %sub3A_15 = arith.subi %div3A, %sub3A : i32
    %select_n3A = arith.select %and3A, %sub3A_15, %div3A : i32
    %sub3A_16 = arith.constant 1 : i32
    %sub3A_17 = arith.subi %sub3A_16, %select_n3A : i32
    %jit3A_18 = arith.constant 4 : i32
    %eq3A = arith.constant 0 : i32
    %eq3A_19 = arith.cmpi eq, %jit3A_18, %eq3A : i32
    %jit3A_20 = arith.constant 1 : i32
    %select_n3A_21 = arith.select %eq3A_19, %jit3A_20, %jit3A_18 : i32
    %rem3A_22 = arith.remsi %arg0, %select_n3A_21 : i32
    %ne3A_23 = arith.constant 0 : i32
    %ne3A_24 = arith.cmpi ne, %rem3A_22, %ne3A_23 : i32
    %lt3A = arith.constant 0 : i32
    %lt3A_25 = arith.cmpi slt, %rem3A_22, %lt3A : i32
    %lt3A_26 = arith.constant 0 : i32
    %lt3A_27 = arith.cmpi slt, %select_n3A_21, %lt3A_26 : i32
    %ne3A_28 = arith.xori %lt3A_25, %lt3A_27 : i1
    %and3A_29 = arith.andi %ne3A_28, %ne3A_24 : i1
    %add3A = arith.addi %rem3A_22, %select_n3A_21 : i32
    %select_n3A_30 = arith.select %and3A_29, %add3A, %rem3A_22 : i32
    %c0_i32 = arith.constant 0 : i32
    %c0_i32_31 = arith.constant 0 : i32
    %c0_i32_32 = arith.constant 0 : i32
    return %sub3A_17, %select_n3A_30, %c0_i32, %c0_i32_31 : i32, i32, i32, i32
  }
  func.func @transform_3(%arg0: i32, %arg1: i32) -> (i32, i32) {
    %c0_i32 = arith.constant 0 : i32
    %c0_i32_0 = arith.constant 0 : i32
    %c0_i32_1 = arith.constant 0 : i32
    return %c0_i32, %c0_i32_0 : i32, i32
  }
  func.func @transform_4(%arg0: i32, %arg1: i32) -> (i32, i32) {
    %c0_i32 = arith.constant 0 : i32
    %c0_i32_0 = arith.constant 0 : i32
    %c0_i32_1 = arith.constant 0 : i32
    return %c0_i32, %c0_i32_0 : i32, i32
  }
  func.func @transform_5(%arg0: i32, %arg1: i32) -> (i32, i32) {
    %c0_i32 = arith.constant 0 : i32
    %c0_i32_0 = arith.constant 0 : i32
    %c0_i32_1 = arith.constant 0 : i32
    return %c0_i32, %c0_i32_0 : i32, i32
  }
  func.func @transform_6(%arg0: i32, %arg1: i32) -> (i32, i32, i32, i32) {
    %jit3A = arith.constant 4 : i32
    %div3A = arith.divsi %arg0, %jit3A : i32
    %sign3A = arith.constant 0 : i32
    %sign3A_0 = arith.cmpi sgt, %arg0, %sign3A : i32
    %sign3A_1 = arith.extui %sign3A_0 : i1 to i32
    %sign3A_2 = arith.constant 0 : i32
    %sign3A_3 = arith.cmpi slt, %arg0, %sign3A_2 : i32
    %sign3A_4 = arith.extui %sign3A_3 : i1 to i32
    %sign3A_5 = arith.subi %sign3A_1, %sign3A_4 : i32
    %sign3A_6 = arith.constant 0 : i32
    %sign3A_7 = arith.cmpi sgt, %jit3A, %sign3A_6 : i32
    %sign3A_8 = arith.extui %sign3A_7 : i1 to i32
    %sign3A_9 = arith.constant 0 : i32
    %sign3A_10 = arith.cmpi slt, %jit3A, %sign3A_9 : i32
    %sign3A_11 = arith.extui %sign3A_10 : i1 to i32
    %sign3A_12 = arith.subi %sign3A_8, %sign3A_11 : i32
    %ne3A = arith.cmpi ne, %sign3A_5, %sign3A_12 : i32
    %rem3A = arith.remsi %arg0, %jit3A : i32
    %ne3A_13 = arith.constant 0 : i32
    %ne3A_14 = arith.cmpi ne, %rem3A, %ne3A_13 : i32
    %and3A = arith.andi %ne3A, %ne3A_14 : i1
    %sub3A = arith.constant 1 : i32
    %sub3A_15 = arith.subi %div3A, %sub3A : i32
    %select_n3A = arith.select %and3A, %sub3A_15, %div3A : i32
    %sub3A_16 = arith.constant 1 : i32
    %sub3A_17 = arith.subi %sub3A_16, %select_n3A : i32
    %jit3A_18 = arith.constant 4 : i32
    %eq3A = arith.constant 0 : i32
    %eq3A_19 = arith.cmpi eq, %jit3A_18, %eq3A : i32
    %jit3A_20 = arith.constant 1 : i32
    %select_n3A_21 = arith.select %eq3A_19, %jit3A_20, %jit3A_18 : i32
    %rem3A_22 = arith.remsi %arg0, %select_n3A_21 : i32
    %ne3A_23 = arith.constant 0 : i32
    %ne3A_24 = arith.cmpi ne, %rem3A_22, %ne3A_23 : i32
    %lt3A = arith.constant 0 : i32
    %lt3A_25 = arith.cmpi slt, %rem3A_22, %lt3A : i32
    %lt3A_26 = arith.constant 0 : i32
    %lt3A_27 = arith.cmpi slt, %select_n3A_21, %lt3A_26 : i32
    %ne3A_28 = arith.xori %lt3A_25, %lt3A_27 : i1
    %and3A_29 = arith.andi %ne3A_28, %ne3A_24 : i1
    %add3A = arith.addi %rem3A_22, %select_n3A_21 : i32
    %select_n3A_30 = arith.select %and3A_29, %add3A, %rem3A_22 : i32
    %c0_i32 = arith.constant 0 : i32
    %c0_i32_31 = arith.constant 0 : i32
    return %sub3A_17, %select_n3A_30, %arg1, %c0_i32 : i32, i32, i32, i32
  }
  func.func @transform_8(%arg0: i32, %arg1: i32) -> (i32, i32, i32, i32) {
    %jit3A = arith.constant 4 : i32
    %div3A = arith.divsi %arg0, %jit3A : i32
    %sign3A = arith.constant 0 : i32
    %sign3A_0 = arith.cmpi sgt, %arg0, %sign3A : i32
    %sign3A_1 = arith.extui %sign3A_0 : i1 to i32
    %sign3A_2 = arith.constant 0 : i32
    %sign3A_3 = arith.cmpi slt, %arg0, %sign3A_2 : i32
    %sign3A_4 = arith.extui %sign3A_3 : i1 to i32
    %sign3A_5 = arith.subi %sign3A_1, %sign3A_4 : i32
    %sign3A_6 = arith.constant 0 : i32
    %sign3A_7 = arith.cmpi sgt, %jit3A, %sign3A_6 : i32
    %sign3A_8 = arith.extui %sign3A_7 : i1 to i32
    %sign3A_9 = arith.constant 0 : i32
    %sign3A_10 = arith.cmpi slt, %jit3A, %sign3A_9 : i32
    %sign3A_11 = arith.extui %sign3A_10 : i1 to i32
    %sign3A_12 = arith.subi %sign3A_8, %sign3A_11 : i32
    %ne3A = arith.cmpi ne, %sign3A_5, %sign3A_12 : i32
    %rem3A = arith.remsi %arg0, %jit3A : i32
    %ne3A_13 = arith.constant 0 : i32
    %ne3A_14 = arith.cmpi ne, %rem3A, %ne3A_13 : i32
    %and3A = arith.andi %ne3A, %ne3A_14 : i1
    %sub3A = arith.constant 1 : i32
    %sub3A_15 = arith.subi %div3A, %sub3A : i32
    %select_n3A = arith.select %and3A, %sub3A_15, %div3A : i32
    %sub3A_16 = arith.constant 1 : i32
    %sub3A_17 = arith.subi %sub3A_16, %select_n3A : i32
    %jit3A_18 = arith.constant 4 : i32
    %eq3A = arith.constant 0 : i32
    %eq3A_19 = arith.cmpi eq, %jit3A_18, %eq3A : i32
    %jit3A_20 = arith.constant 1 : i32
    %select_n3A_21 = arith.select %eq3A_19, %jit3A_20, %jit3A_18 : i32
    %rem3A_22 = arith.remsi %arg0, %select_n3A_21 : i32
    %ne3A_23 = arith.constant 0 : i32
    %ne3A_24 = arith.cmpi ne, %rem3A_22, %ne3A_23 : i32
    %lt3A = arith.constant 0 : i32
    %lt3A_25 = arith.cmpi slt, %rem3A_22, %lt3A : i32
    %lt3A_26 = arith.constant 0 : i32
    %lt3A_27 = arith.cmpi slt, %select_n3A_21, %lt3A_26 : i32
    %ne3A_28 = arith.xori %lt3A_25, %lt3A_27 : i1
    %and3A_29 = arith.andi %ne3A_28, %ne3A_24 : i1
    %add3A = arith.addi %rem3A_22, %select_n3A_21 : i32
    %select_n3A_30 = arith.select %and3A_29, %add3A, %rem3A_22 : i32
    %c0_i32 = arith.constant 0 : i32
    %c0_i32_31 = arith.constant 0 : i32
    %c0_i32_32 = arith.constant 0 : i32
    return %sub3A_17, %select_n3A_30, %c0_i32, %c0_i32_31 : i32, i32, i32, i32
  }
  func.func @transform_9(%arg0: i32, %arg1: i32) -> (i32, i32, i32, i32) {
    %jit3A = arith.constant 4 : i32
    %div3A = arith.divsi %arg0, %jit3A : i32
    %sign3A = arith.constant 0 : i32
    %sign3A_0 = arith.cmpi sgt, %arg0, %sign3A : i32
    %sign3A_1 = arith.extui %sign3A_0 : i1 to i32
    %sign3A_2 = arith.constant 0 : i32
    %sign3A_3 = arith.cmpi slt, %arg0, %sign3A_2 : i32
    %sign3A_4 = arith.extui %sign3A_3 : i1 to i32
    %sign3A_5 = arith.subi %sign3A_1, %sign3A_4 : i32
    %sign3A_6 = arith.constant 0 : i32
    %sign3A_7 = arith.cmpi sgt, %jit3A, %sign3A_6 : i32
    %sign3A_8 = arith.extui %sign3A_7 : i1 to i32
    %sign3A_9 = arith.constant 0 : i32
    %sign3A_10 = arith.cmpi slt, %jit3A, %sign3A_9 : i32
    %sign3A_11 = arith.extui %sign3A_10 : i1 to i32
    %sign3A_12 = arith.subi %sign3A_8, %sign3A_11 : i32
    %ne3A = arith.cmpi ne, %sign3A_5, %sign3A_12 : i32
    %rem3A = arith.remsi %arg0, %jit3A : i32
    %ne3A_13 = arith.constant 0 : i32
    %ne3A_14 = arith.cmpi ne, %rem3A, %ne3A_13 : i32
    %and3A = arith.andi %ne3A, %ne3A_14 : i1
    %sub3A = arith.constant 1 : i32
    %sub3A_15 = arith.subi %div3A, %sub3A : i32
    %select_n3A = arith.select %and3A, %sub3A_15, %div3A : i32
    %sub3A_16 = arith.constant 1 : i32
    %sub3A_17 = arith.subi %sub3A_16, %select_n3A : i32
    %jit3A_18 = arith.constant 4 : i32
    %eq3A = arith.constant 0 : i32
    %eq3A_19 = arith.cmpi eq, %jit3A_18, %eq3A : i32
    %jit3A_20 = arith.constant 1 : i32
    %select_n3A_21 = arith.select %eq3A_19, %jit3A_20, %jit3A_18 : i32
    %rem3A_22 = arith.remsi %arg0, %select_n3A_21 : i32
    %ne3A_23 = arith.constant 0 : i32
    %ne3A_24 = arith.cmpi ne, %rem3A_22, %ne3A_23 : i32
    %lt3A = arith.constant 0 : i32
    %lt3A_25 = arith.cmpi slt, %rem3A_22, %lt3A : i32
    %lt3A_26 = arith.constant 0 : i32
    %lt3A_27 = arith.cmpi slt, %select_n3A_21, %lt3A_26 : i32
    %ne3A_28 = arith.xori %lt3A_25, %lt3A_27 : i1
    %and3A_29 = arith.andi %ne3A_28, %ne3A_24 : i1
    %add3A = arith.addi %rem3A_22, %select_n3A_21 : i32
    %select_n3A_30 = arith.select %and3A_29, %add3A, %rem3A_22 : i32
    %c0_i32 = arith.constant 0 : i32
    %c0_i32_31 = arith.constant 0 : i32
    %c0_i32_32 = arith.constant 0 : i32
    return %sub3A_17, %select_n3A_30, %c0_i32, %c0_i32_31 : i32, i32, i32, i32
  }
  func.func @transform_10(%arg0: i32, %arg1: i32) -> (i32, i32, i32, i32) {
    %jit3A = arith.constant 4 : i32
    %div3A = arith.divsi %arg0, %jit3A : i32
    %sign3A = arith.constant 0 : i32
    %sign3A_0 = arith.cmpi sgt, %arg0, %sign3A : i32
    %sign3A_1 = arith.extui %sign3A_0 : i1 to i32
    %sign3A_2 = arith.constant 0 : i32
    %sign3A_3 = arith.cmpi slt, %arg0, %sign3A_2 : i32
    %sign3A_4 = arith.extui %sign3A_3 : i1 to i32
    %sign3A_5 = arith.subi %sign3A_1, %sign3A_4 : i32
    %sign3A_6 = arith.constant 0 : i32
    %sign3A_7 = arith.cmpi sgt, %jit3A, %sign3A_6 : i32
    %sign3A_8 = arith.extui %sign3A_7 : i1 to i32
    %sign3A_9 = arith.constant 0 : i32
    %sign3A_10 = arith.cmpi slt, %jit3A, %sign3A_9 : i32
    %sign3A_11 = arith.extui %sign3A_10 : i1 to i32
    %sign3A_12 = arith.subi %sign3A_8, %sign3A_11 : i32
    %ne3A = arith.cmpi ne, %sign3A_5, %sign3A_12 : i32
    %rem3A = arith.remsi %arg0, %jit3A : i32
    %ne3A_13 = arith.constant 0 : i32
    %ne3A_14 = arith.cmpi ne, %rem3A, %ne3A_13 : i32
    %and3A = arith.andi %ne3A, %ne3A_14 : i1
    %sub3A = arith.constant 1 : i32
    %sub3A_15 = arith.subi %div3A, %sub3A : i32
    %select_n3A = arith.select %and3A, %sub3A_15, %div3A : i32
    %sub3A_16 = arith.constant 1 : i32
    %sub3A_17 = arith.subi %sub3A_16, %select_n3A : i32
    %jit3A_18 = arith.constant 4 : i32
    %eq3A = arith.constant 0 : i32
    %eq3A_19 = arith.cmpi eq, %jit3A_18, %eq3A : i32
    %jit3A_20 = arith.constant 1 : i32
    %select_n3A_21 = arith.select %eq3A_19, %jit3A_20, %jit3A_18 : i32
    %rem3A_22 = arith.remsi %arg0, %select_n3A_21 : i32
    %ne3A_23 = arith.constant 0 : i32
    %ne3A_24 = arith.cmpi ne, %rem3A_22, %ne3A_23 : i32
    %lt3A = arith.constant 0 : i32
    %lt3A_25 = arith.cmpi slt, %rem3A_22, %lt3A : i32
    %lt3A_26 = arith.constant 0 : i32
    %lt3A_27 = arith.cmpi slt, %select_n3A_21, %lt3A_26 : i32
    %ne3A_28 = arith.xori %lt3A_25, %lt3A_27 : i1
    %and3A_29 = arith.andi %ne3A_28, %ne3A_24 : i1
    %add3A = arith.addi %rem3A_22, %select_n3A_21 : i32
    %select_n3A_30 = arith.select %and3A_29, %add3A, %rem3A_22 : i32
    %c0_i32 = arith.constant 0 : i32
    %c0_i32_31 = arith.constant 0 : i32
    return %sub3A_17, %select_n3A_30, %arg1, %c0_i32 : i32, i32, i32, i32
  }
}

module attributes {stable_mosaic.version = 14 : i64} {
  func.func @_fix_kernel(%arg0: i32, %arg1: memref<1x1x2048x768xf32, #tpu.memory_space<vmem>>, %arg2: memref<1x1x2048x768xf32, #tpu.memory_space<vmem>>, %arg3: memref<1x1x12x40x64xf32, #tpu.memory_space<vmem>>, %arg4: memref<1x1x12x40x64xf32, #tpu.memory_space<vmem>>, %arg5: memref<1x1x16x128xi32, #tpu.memory_space<vmem>>, %arg6: memref<1x1x16x128xi32, #tpu.memory_space<vmem>>, %arg7: memref<1x1x2048x64xf32, #tpu.memory_space<vmem>>, %arg8: memref<16xf32, #tpu.memory_space<smem>>, %arg9: memref<2xf32, #tpu.memory_space<smem>>, %arg10: memref<1x2048x64xf32, #tpu.memory_space<vmem>>) attributes {dimension_semantics = [#tpu.dimension_semantics<arbitrary>], iteration_bounds = array<i64: 4>, scalar_prefetch = 0 : i64, scratch_operands = 0 : i64, tpu.core_type = #tpu.core_type<tc>, window_params = [{transform_indices = @transform_0, window_bounds = array<i64: 1, 1, 2048, 768>}, {transform_indices = @transform_1, window_bounds = array<i64: 1, 1, 2048, 768>}, {transform_indices = @transform_2, window_bounds = array<i64: 1, 1, 12, 40, 64>}, {transform_indices = @transform_3, window_bounds = array<i64: 1, 1, 12, 40, 64>}, {transform_indices = @transform_4, window_bounds = array<i64: 1, 1, 16, 128>}, {transform_indices = @transform_5, window_bounds = array<i64: 1, 1, 16, 128>}, {transform_indices = @transform_6, window_bounds = array<i64: 1, 1, 2048, 64>}, {transform_indices = @transform_7, window_bounds = array<i64: 16>}, {transform_indices = @transform_8, window_bounds = array<i64: 2>}, {transform_indices = @transform_9, window_bounds = array<i64: 1, 2048, 64>}]} {
    %get3A = arith.constant 0 : index
    %get3A_0 = arith.constant 0 : index
    %get3A_1 = arith.constant 0 : index
    %get3A_2 = arith.constant 0 : index
    %get3A_3 = vector.load %arg1[%get3A, %get3A_0, %get3A_1, %get3A_2] : memref<1x1x2048x768xf32, #tpu.memory_space<vmem>>, vector<1x1x2048x768xf32>
    %get3A_4 = vector.shape_cast %get3A_3 : vector<1x1x2048x768xf32> to vector<2048x768xf32>
    %get3A_5 = arith.constant 0 : index
    %get3A_6 = arith.constant 0 : index
    %get3A_7 = arith.constant 0 : index
    %get3A_8 = arith.constant 0 : index
    %get3A_9 = vector.load %arg2[%get3A_5, %get3A_6, %get3A_7, %get3A_8] : memref<1x1x2048x768xf32, #tpu.memory_space<vmem>>, vector<1x1x2048x768xf32>
    %get3A_10 = vector.shape_cast %get3A_9 : vector<1x1x2048x768xf32> to vector<2048x768xf32>
    %get3A_11 = arith.constant 0 : index
    %get3A_12 = arith.constant 0 : index
    %get3A_13 = arith.constant 0 : index
    %get3A_14 = arith.constant 0 : index
    %get3A_15 = vector.load %arg5[%get3A_11, %get3A_12, %get3A_13, %get3A_14] : memref<1x1x16x128xi32, #tpu.memory_space<vmem>>, vector<1x1x16x128xi32>
    %get3A_16 = vector.shape_cast %get3A_15 : vector<1x1x16x128xi32> to vector<16x128xi32>
    %get3A_17 = arith.constant 0 : index
    %get3A_18 = arith.constant 0 : index
    %get3A_19 = arith.constant 0 : index
    %get3A_20 = arith.constant 0 : index
    %get3A_21 = vector.load %arg6[%get3A_17, %get3A_18, %get3A_19, %get3A_20] : memref<1x1x16x128xi32, #tpu.memory_space<vmem>>, vector<1x1x16x128xi32>
    %get3A_22 = vector.shape_cast %get3A_21 : vector<1x1x16x128xi32> to vector<16x128xi32>
    %get3A_23 = arith.constant 0 : index
    %get3A_24 = arith.constant 0 : index
    %get3A_25 = arith.constant 0 : index
    %get3A_26 = arith.constant 0 : index
    %get3A_27 = arith.constant 0 : index
    %get3A_28 = vector.load %arg3[%get3A_23, %get3A_24, %get3A_25, %get3A_26, %get3A_27] : memref<1x1x12x40x64xf32, #tpu.memory_space<vmem>>, vector<1x1x12x40x64xf32>
    %get3A_29 = vector.shape_cast %get3A_28 : vector<1x1x12x40x64xf32> to vector<12x40x64xf32>
    %get3A_30 = arith.constant 0 : index
    %get3A_31 = arith.constant 0 : index
    %get3A_32 = arith.constant 0 : index
    %get3A_33 = arith.constant 0 : index
    %get3A_34 = arith.constant 0 : index
    %get3A_35 = vector.load %arg4[%get3A_30, %get3A_31, %get3A_32, %get3A_33, %get3A_34] : memref<1x1x12x40x64xf32, #tpu.memory_space<vmem>>, vector<1x1x12x40x64xf32>
    %get3A_36 = vector.shape_cast %get3A_35 : vector<1x1x12x40x64xf32> to vector<12x40x64xf32>
    %get3A_37 = arith.constant 0 : index
    %get3A_38 = memref.load %arg9[%get3A_37] : memref<2xf32, #tpu.memory_space<smem>>
    %get3A_39 = arith.constant 1 : index
    %get3A_40 = memref.load %arg9[%get3A_39] : memref<2xf32, #tpu.memory_space<smem>>
    %iota3A = tpu.iota {dimensions = array<i32: 1>} : vector<80x2048xi32>
    %iota3A_41 = tpu.iota {dimensions = array<i32: 0>} : vector<80x128xi32>
    %iota3A_42 = tpu.iota {dimensions = array<i32: 1>} : vector<80x128xi32>
    %lt3A = arith.constant 40 : i32
    %lt3A_43 = vector.broadcast %lt3A : i32 to vector<80x128xi32>
    %lt3A_44 = arith.cmpi slt, %iota3A_41, %lt3A_43 : vector<80x128xi32>
    %lt3A_45 = arith.constant 64 : i32
    %lt3A_46 = vector.broadcast %lt3A_45 : i32 to vector<80x128xi32>
    %lt3A_47 = arith.cmpi slt, %iota3A_42, %lt3A_46 : vector<80x128xi32>
    %eq3A = arith.xori %lt3A_44, %lt3A_47 : vector<80x128xi1>
    %eq3A_48 = arith.constant dense<true> : vector<80x128xi1>
    %eq3A_49 = arith.xori %eq3A, %eq3A_48 : vector<80x128xi1>
    %convert_element_type3A = arith.extui %eq3A_49 : vector<80x128xi1> to vector<80x128xi32>
    %convert_element_type3A_50 = arith.sitofp %convert_element_type3A : vector<80x128xi32> to vector<80x128xf32>
    %iota3A_51 = tpu.iota {dimensions = array<i32: 0>} : vector<80x80xi32>
    %lt3A_52 = arith.constant 40 : i32
    %lt3A_53 = vector.broadcast %lt3A_52 : i32 to vector<80x80xi32>
    %lt3A_54 = arith.cmpi slt, %iota3A_51, %lt3A_53 : vector<80x80xi32>
    %iota3A_55 = tpu.iota {dimensions = array<i32: 1>} : vector<80x80xi32>
    %lt3A_56 = arith.constant 40 : i32
    %lt3A_57 = vector.broadcast %lt3A_56 : i32 to vector<80x80xi32>
    %lt3A_58 = arith.cmpi slt, %iota3A_55, %lt3A_57 : vector<80x80xi32>
    %eq3A_59 = arith.xori %lt3A_54, %lt3A_58 : vector<80x80xi1>
    %eq3A_60 = arith.constant dense<true> : vector<80x80xi1>
    %eq3A_61 = arith.xori %eq3A_59, %eq3A_60 : vector<80x80xi1>
    %convert_element_type3A_62 = arith.extui %eq3A_61 : vector<80x80xi1> to vector<80x80xi32>
    %convert_element_type3A_63 = arith.sitofp %convert_element_type3A_62 : vector<80x80xi32> to vector<80x80xf32>
    %broadcast_in_dim3A = arith.constant 0.000000e+00 : f32
    %broadcast_in_dim3A_64 = vector.broadcast %broadcast_in_dim3A : f32 to vector<40x64xf32>
    %broadcast_in_dim3A_65 = arith.constant 0.000000e+00 : f32
    %broadcast_in_dim3A_66 = vector.broadcast %broadcast_in_dim3A_65 : f32 to vector<2048x64xf32>
    %slice3A = vector.extract_strided_slice %get3A_4 {offsets = [0, 0], sizes = [2048, 128], strides = [1, 1]} : vector<2048x768xf32> to vector<2048x128xf32>
    %slice3A_67 = vector.extract_strided_slice %get3A_10 {offsets = [0, 0], sizes = [2048, 128], strides = [1, 1]} : vector<2048x768xf32> to vector<2048x128xf32>
    %slice3A_68 = vector.extract_strided_slice %iota3A_41 {offsets = [0, 0], sizes = [80, 1], strides = [1, 1]} : vector<80x128xi32> to vector<80x1xi32>
    %lt3A_69 = arith.constant 40 : i32
    %lt3A_70 = vector.broadcast %lt3A_69 : i32 to vector<80x1xi32>
    %lt3A_71 = arith.cmpi slt, %slice3A_68, %lt3A_70 : vector<80x1xi32>
    %get3A_72 = arith.constant 0 : index
    %get3A_73 = memref.load %arg8[%get3A_72] : memref<16xf32, #tpu.memory_space<smem>>
    %get3A_74 = arith.constant 1 : index
    %get3A_75 = memref.load %arg8[%get3A_74] : memref<16xf32, #tpu.memory_space<smem>>
    %broadcast_in_dim3A_76 = vector.broadcast %get3A_73 : f32 to vector<80x1xf32>
    %broadcast_in_dim3A_77 = vector.broadcast %get3A_75 : f32 to vector<80x1xf32>
    %select_n3A = arith.select %lt3A_71, %broadcast_in_dim3A_76, %broadcast_in_dim3A_77 : vector<80x1xi1>, vector<80x1xf32>
    %slice3A_78 = vector.extract_strided_slice %get3A_16 {offsets = [0, 0], sizes = [1, 40], strides = [1, 1]} : vector<16x128xi32> to vector<1x40xi32>
    %squeeze3A = vector.shape_cast %slice3A_78 : vector<1x40xi32> to vector<40xi32>
    %reshape3A = vector.shape_cast %squeeze3A : vector<40xi32> to vector<40x1xi32>
    %slice3A_79 = vector.extract_strided_slice %get3A_16 {offsets = [1, 0], sizes = [1, 40], strides = [1, 1]} : vector<16x128xi32> to vector<1x40xi32>
    %squeeze3A_80 = vector.shape_cast %slice3A_79 : vector<1x40xi32> to vector<40xi32>
    %reshape3A_81 = vector.shape_cast %squeeze3A_80 : vector<40xi32> to vector<40x1xi32>
    %concatenate3A = tpu.concatenate %reshape3A, %reshape3A_81 in 0 : vector<40x1xi32>, vector<40x1xi32> -> vector<80x1xi32>
    %eq3A_82 = vector.broadcast %concatenate3A : vector<80x1xi32> to vector<80x2048xi32>
    %eq3A_83 = arith.cmpi eq, %iota3A, %eq3A_82 : vector<80x2048xi32>
    %convert_element_type3A_84 = arith.extui %eq3A_83 : vector<80x2048xi1> to vector<80x2048xi32>
    %convert_element_type3A_85 = arith.sitofp %convert_element_type3A_84 : vector<80x2048xi32> to vector<80x2048xf32>
    %le3A = vector.broadcast %concatenate3A : vector<80x1xi32> to vector<80x2048xi32>
    %le3A_86 = arith.cmpi sle, %iota3A, %le3A : vector<80x2048xi32>
    %convert_element_type3A_87 = arith.extui %le3A_86 : vector<80x2048xi1> to vector<80x2048xi32>
    %convert_element_type3A_88 = arith.sitofp %convert_element_type3A_87 : vector<80x2048xi32> to vector<80x2048xf32>
    %slice3A_89 = vector.extract_strided_slice %get3A_29 {offsets = [0, 0, 0], sizes = [1, 40, 64], strides = [1, 1, 1]} : vector<12x40x64xf32> to vector<1x40x64xf32>
    %squeeze3A_90 = vector.shape_cast %slice3A_89 : vector<1x40x64xf32> to vector<40x64xf32>
    %concatenate3A_91 = tpu.concatenate %squeeze3A_90, %broadcast_in_dim3A_64 in 1 : vector<40x64xf32>, vector<40x64xf32> -> vector<40x128xf32>
    %slice3A_92 = vector.extract_strided_slice %get3A_29 {offsets = [1, 0, 0], sizes = [1, 40, 64], strides = [1, 1, 1]} : vector<12x40x64xf32> to vector<1x40x64xf32>
    %squeeze3A_93 = vector.shape_cast %slice3A_92 : vector<1x40x64xf32> to vector<40x64xf32>
    %concatenate3A_94 = tpu.concatenate %broadcast_in_dim3A_64, %squeeze3A_93 in 1 : vector<40x64xf32>, vector<40x64xf32> -> vector<40x128xf32>
    %concatenate3A_95 = tpu.concatenate %concatenate3A_91, %concatenate3A_94 in 0 : vector<40x128xf32>, vector<40x128xf32> -> vector<80x128xf32>
    %slice3A_96 = vector.extract_strided_slice %get3A_22 {offsets = [0, 0], sizes = [1, 40], strides = [1, 1]} : vector<16x128xi32> to vector<1x40xi32>
    %squeeze3A_97 = vector.shape_cast %slice3A_96 : vector<1x40xi32> to vector<40xi32>
    %reshape3A_98 = vector.shape_cast %squeeze3A_97 : vector<40xi32> to vector<40x1xi32>
    %slice3A_99 = vector.extract_strided_slice %get3A_22 {offsets = [1, 0], sizes = [1, 40], strides = [1, 1]} : vector<16x128xi32> to vector<1x40xi32>
    %squeeze3A_100 = vector.shape_cast %slice3A_99 : vector<1x40xi32> to vector<40xi32>
    %reshape3A_101 = vector.shape_cast %squeeze3A_100 : vector<40xi32> to vector<40x1xi32>
    %concatenate3A_102 = tpu.concatenate %reshape3A_98, %reshape3A_101 in 0 : vector<40x1xi32>, vector<40x1xi32> -> vector<80x1xi32>
    %eq3A_103 = vector.broadcast %concatenate3A_102 : vector<80x1xi32> to vector<80x2048xi32>
    %eq3A_104 = arith.cmpi eq, %iota3A, %eq3A_103 : vector<80x2048xi32>
    %convert_element_type3A_105 = arith.extui %eq3A_104 : vector<80x2048xi1> to vector<80x2048xi32>
    %convert_element_type3A_106 = arith.sitofp %convert_element_type3A_105 : vector<80x2048xi32> to vector<80x2048xf32>
    %le3A_107 = vector.broadcast %concatenate3A_102 : vector<80x1xi32> to vector<80x2048xi32>
    %le3A_108 = arith.cmpi sle, %iota3A, %le3A_107 : vector<80x2048xi32>
    %convert_element_type3A_109 = arith.extui %le3A_108 : vector<80x2048xi1> to vector<80x2048xi32>
    %convert_element_type3A_110 = arith.sitofp %convert_element_type3A_109 : vector<80x2048xi32> to vector<80x2048xf32>
    %slice3A_111 = vector.extract_strided_slice %get3A_36 {offsets = [0, 0, 0], sizes = [1, 40, 64], strides = [1, 1, 1]} : vector<12x40x64xf32> to vector<1x40x64xf32>
    %squeeze3A_112 = vector.shape_cast %slice3A_111 : vector<1x40x64xf32> to vector<40x64xf32>
    %concatenate3A_113 = tpu.concatenate %squeeze3A_112, %broadcast_in_dim3A_64 in 1 : vector<40x64xf32>, vector<40x64xf32> -> vector<40x128xf32>
    %slice3A_114 = vector.extract_strided_slice %get3A_36 {offsets = [1, 0, 0], sizes = [1, 40, 64], strides = [1, 1, 1]} : vector<12x40x64xf32> to vector<1x40x64xf32>
    %squeeze3A_115 = vector.shape_cast %slice3A_114 : vector<1x40x64xf32> to vector<40x64xf32>
    %concatenate3A_116 = tpu.concatenate %broadcast_in_dim3A_64, %squeeze3A_115 in 1 : vector<40x64xf32>, vector<40x64xf32> -> vector<40x128xf32>
    %concatenate3A_117 = tpu.concatenate %concatenate3A_113, %concatenate3A_116 in 0 : vector<40x128xf32>, vector<40x128xf32> -> vector<80x128xf32>
    %dot_general3A = arith.constant dense<0.000000e+00> : vector<80x2048xf32>
    %dot_general3A_118 = tpu.matmul %concatenate3A_95, %slice3A, %dot_general3A {dimension_numbers = #tpu.dot_dimension_numbers<[1], [1], [0], [0], [0, 0, 1, 0], [], []>, transpose_lhs_hint = false} : vector<80x128xf32>, vector<2048x128xf32>, vector<80x2048xf32> -> vector<80x2048xf32>
    %mul3A = vector.broadcast %get3A_38 : f32 to vector<80x2048xf32>
    %mul3A_119 = arith.mulf %dot_general3A_118, %mul3A : vector<80x2048xf32>
    %add3A = vector.broadcast %get3A_40 : f32 to vector<80x2048xf32>
    %add3A_120 = arith.addf %mul3A_119, %add3A : vector<80x2048xf32>
    %mul3A_121 = arith.constant 1.250000e-01 : f32
    %mul3A_122 = vector.broadcast %mul3A_121 : f32 to vector<80x2048xf32>
    %mul3A_123 = arith.mulf %add3A_120, %mul3A_122 : vector<80x2048xf32>
    %reduce_max3A = arith.constant dense<0xFF800000> : vector<80xf32>
    %reduce_max3A_124 = vector.multi_reduction <maximumf>, %mul3A_123, %reduce_max3A [1] : vector<80x2048xf32> to vector<80xf32>
    %broadcast_in_dim3A_125 = vector.shape_cast %reduce_max3A_124 : vector<80xf32> to vector<80x1xf32>
    %sub3A = vector.broadcast %broadcast_in_dim3A_125 : vector<80x1xf32> to vector<80x2048xf32>
    %sub3A_126 = arith.subf %mul3A_123, %sub3A : vector<80x2048xf32>
    %exp3A = math.exp %sub3A_126 : vector<80x2048xf32>
    %reduce_sum3A = arith.constant dense<0.000000e+00> : vector<80xf32>
    %reduce_sum3A_127 = vector.multi_reduction <add>, %exp3A, %reduce_sum3A [1] : vector<80x2048xf32> to vector<80xf32>
    %broadcast_in_dim3A_128 = vector.shape_cast %reduce_sum3A_127 : vector<80xf32> to vector<80x1xf32>
    %div3A = vector.broadcast %broadcast_in_dim3A_128 : vector<80x1xf32> to vector<80x2048xf32>
    %div3A_129 = arith.divf %exp3A, %div3A : vector<80x2048xf32>
    %dot_general3A_130 = arith.constant dense<0.000000e+00> : vector<80x128xf32>
    %dot_general3A_131 = tpu.matmul %div3A_129, %slice3A, %dot_general3A_130 {dimension_numbers = #tpu.dot_dimension_numbers<[1], [0], [0], [1], [0, 0, 1, 1], [], []>, transpose_lhs_hint = false} : vector<80x2048xf32>, vector<2048x128xf32>, vector<80x128xf32> -> vector<80x128xf32>
    %dot_general3A_132 = arith.constant dense<0.000000e+00> : vector<80x128xf32>
    %dot_general3A_133 = tpu.matmul %convert_element_type3A_88, %slice3A, %dot_general3A_132 {dimension_numbers = #tpu.dot_dimension_numbers<[1], [0], [0], [1], [0, 0, 1, 1], [], []>, transpose_lhs_hint = false} : vector<80x2048xf32>, vector<2048x128xf32>, vector<80x128xf32> -> vector<80x128xf32>
    %sub3A_134 = arith.subf %dot_general3A_131, %dot_general3A_133 : vector<80x128xf32>
    %mul3A_135 = arith.mulf %sub3A_134, %convert_element_type3A_50 : vector<80x128xf32>
    %mul3A_136 = vector.broadcast %select_n3A : vector<80x1xf32> to vector<80x128xf32>
    %mul3A_137 = arith.mulf %mul3A_135, %mul3A_136 : vector<80x128xf32>
    %dot_general3A_138 = arith.constant dense<0.000000e+00> : vector<80x2048xf32>
    %dot_general3A_139 = tpu.matmul %concatenate3A_117, %slice3A_67, %dot_general3A_138 {dimension_numbers = #tpu.dot_dimension_numbers<[1], [1], [0], [0], [0, 0, 1, 0], [], []>, transpose_lhs_hint = false} : vector<80x128xf32>, vector<2048x128xf32>, vector<80x2048xf32> -> vector<80x2048xf32>
    %mul3A_140 = vector.broadcast %get3A_38 : f32 to vector<80x2048xf32>
    %mul3A_141 = arith.mulf %dot_general3A_139, %mul3A_140 : vector<80x2048xf32>
    %add3A_142 = vector.broadcast %get3A_40 : f32 to vector<80x2048xf32>
    %add3A_143 = arith.addf %mul3A_141, %add3A_142 : vector<80x2048xf32>
    %mul3A_144 = arith.constant 1.250000e-01 : f32
    %mul3A_145 = vector.broadcast %mul3A_144 : f32 to vector<80x2048xf32>
    %mul3A_146 = arith.mulf %add3A_143, %mul3A_145 : vector<80x2048xf32>
    %reduce_max3A_147 = arith.constant dense<0xFF800000> : vector<80xf32>
    %reduce_max3A_148 = vector.multi_reduction <maximumf>, %mul3A_146, %reduce_max3A_147 [1] : vector<80x2048xf32> to vector<80xf32>
    %broadcast_in_dim3A_149 = vector.shape_cast %reduce_max3A_148 : vector<80xf32> to vector<80x1xf32>
    %sub3A_150 = vector.broadcast %broadcast_in_dim3A_149 : vector<80x1xf32> to vector<80x2048xf32>
    %sub3A_151 = arith.subf %mul3A_146, %sub3A_150 : vector<80x2048xf32>
    %exp3A_152 = math.exp %sub3A_151 : vector<80x2048xf32>
    %reduce_sum3A_153 = arith.constant dense<0.000000e+00> : vector<80xf32>
    %reduce_sum3A_154 = vector.multi_reduction <add>, %exp3A_152, %reduce_sum3A_153 [1] : vector<80x2048xf32> to vector<80xf32>
    %broadcast_in_dim3A_155 = vector.shape_cast %reduce_sum3A_154 : vector<80xf32> to vector<80x1xf32>
    %div3A_156 = vector.broadcast %broadcast_in_dim3A_155 : vector<80x1xf32> to vector<80x2048xf32>
    %div3A_157 = arith.divf %exp3A_152, %div3A_156 : vector<80x2048xf32>
    %dot_general3A_158 = arith.constant dense<0.000000e+00> : vector<80x128xf32>
    %dot_general3A_159 = tpu.matmul %div3A_157, %slice3A_67, %dot_general3A_158 {dimension_numbers = #tpu.dot_dimension_numbers<[1], [0], [0], [1], [0, 0, 1, 1], [], []>, transpose_lhs_hint = false} : vector<80x2048xf32>, vector<2048x128xf32>, vector<80x128xf32> -> vector<80x128xf32>
    %dot_general3A_160 = arith.constant dense<0.000000e+00> : vector<80x128xf32>
    %dot_general3A_161 = tpu.matmul %convert_element_type3A_110, %slice3A, %dot_general3A_160 {dimension_numbers = #tpu.dot_dimension_numbers<[1], [0], [0], [1], [0, 0, 1, 1], [], []>, transpose_lhs_hint = false} : vector<80x2048xf32>, vector<2048x128xf32>, vector<80x128xf32> -> vector<80x128xf32>
    %sub3A_162 = arith.subf %dot_general3A_159, %dot_general3A_161 : vector<80x128xf32>
    %mul3A_163 = arith.mulf %sub3A_162, %convert_element_type3A_50 : vector<80x128xf32>
    %mul3A_164 = vector.broadcast %select_n3A : vector<80x1xf32> to vector<80x128xf32>
    %mul3A_165 = arith.mulf %mul3A_163, %mul3A_164 : vector<80x128xf32>
    %reshape3A_166 = vector.shape_cast %concatenate3A_102 : vector<80x1xi32> to vector<1x80xi32>
    %eq3A_167 = vector.broadcast %concatenate3A : vector<80x1xi32> to vector<80x80xi32>
    %eq3A_168 = vector.broadcast %reshape3A_166 : vector<1x80xi32> to vector<80x80xi32>
    %eq3A_169 = arith.cmpi eq, %eq3A_167, %eq3A_168 : vector<80x80xi32>
    %convert_element_type3A_170 = arith.extui %eq3A_169 : vector<80x80xi1> to vector<80x80xi32>
    %convert_element_type3A_171 = arith.sitofp %convert_element_type3A_170 : vector<80x80xi32> to vector<80x80xf32>
    %mul3A_172 = arith.mulf %convert_element_type3A_171, %convert_element_type3A_63 : vector<80x80xf32>
    %reduce_max3A_173 = arith.constant dense<0xFF800000> : vector<80xf32>
    %reduce_max3A_174 = vector.multi_reduction <maximumf>, %mul3A_172, %reduce_max3A_173 [1] : vector<80x80xf32> to vector<80xf32>
    %broadcast_in_dim3A_175 = vector.shape_cast %reduce_max3A_174 : vector<80xf32> to vector<80x1xf32>
    %sub3A_176 = arith.constant 1.000000e+00 : f32
    %sub3A_177 = vector.broadcast %sub3A_176 : f32 to vector<80x1xf32>
    %sub3A_178 = arith.subf %sub3A_177, %broadcast_in_dim3A_175 : vector<80x1xf32>
    %mul3A_179 = vector.broadcast %sub3A_178 : vector<80x1xf32> to vector<80x128xf32>
    %mul3A_180 = arith.mulf %mul3A_137, %mul3A_179 : vector<80x128xf32>
    %concatenate3A_181 = tpu.concatenate %convert_element_type3A_85, %convert_element_type3A_106 in 0 : vector<80x2048xf32>, vector<80x2048xf32> -> vector<160x2048xf32>
    %concatenate3A_182 = tpu.concatenate %mul3A_180, %mul3A_165 in 0 : vector<80x128xf32>, vector<80x128xf32> -> vector<160x128xf32>
    %dot_general3A_183 = arith.constant dense<0.000000e+00> : vector<2048x128xf32>
    %dot_general3A_184 = tpu.matmul %concatenate3A_181, %concatenate3A_182, %dot_general3A_183 {dimension_numbers = #tpu.dot_dimension_numbers<[0], [0], [1], [1], [0, 1, 1, 1], [], []>, transpose_lhs_hint = false} : vector<160x2048xf32>, vector<160x128xf32>, vector<2048x128xf32> -> vector<2048x128xf32>
    %slice3A_185 = vector.extract_strided_slice %dot_general3A_184 {offsets = [0, 0], sizes = [2048, 64], strides = [1, 1]} : vector<2048x128xf32> to vector<2048x64xf32>
    %add3A_186 = arith.addf %broadcast_in_dim3A_66, %slice3A_185 : vector<2048x64xf32>
    %slice3A_187 = vector.extract_strided_slice %dot_general3A_184 {offsets = [0, 64], sizes = [2048, 64], strides = [1, 1]} : vector<2048x128xf32> to vector<2048x64xf32>
    %add3A_188 = arith.addf %add3A_186, %slice3A_187 : vector<2048x64xf32>
    %slice3A_189 = vector.extract_strided_slice %get3A_4 {offsets = [0, 128], sizes = [2048, 128], strides = [1, 1]} : vector<2048x768xf32> to vector<2048x128xf32>
    %slice3A_190 = vector.extract_strided_slice %get3A_10 {offsets = [0, 128], sizes = [2048, 128], strides = [1, 1]} : vector<2048x768xf32> to vector<2048x128xf32>
    %slice3A_191 = vector.extract_strided_slice %iota3A_41 {offsets = [0, 0], sizes = [80, 1], strides = [1, 1]} : vector<80x128xi32> to vector<80x1xi32>
    %lt3A_192 = arith.constant 40 : i32
    %lt3A_193 = vector.broadcast %lt3A_192 : i32 to vector<80x1xi32>
    %lt3A_194 = arith.cmpi slt, %slice3A_191, %lt3A_193 : vector<80x1xi32>
    %get3A_195 = arith.constant 2 : index
    %get3A_196 = memref.load %arg8[%get3A_195] : memref<16xf32, #tpu.memory_space<smem>>
    %get3A_197 = arith.constant 3 : index
    %get3A_198 = memref.load %arg8[%get3A_197] : memref<16xf32, #tpu.memory_space<smem>>
    %broadcast_in_dim3A_199 = vector.broadcast %get3A_196 : f32 to vector<80x1xf32>
    %broadcast_in_dim3A_200 = vector.broadcast %get3A_198 : f32 to vector<80x1xf32>
    %select_n3A_201 = arith.select %lt3A_194, %broadcast_in_dim3A_199, %broadcast_in_dim3A_200 : vector<80x1xi1>, vector<80x1xf32>
    %slice3A_202 = vector.extract_strided_slice %get3A_16 {offsets = [2, 0], sizes = [1, 40], strides = [1, 1]} : vector<16x128xi32> to vector<1x40xi32>
    %squeeze3A_203 = vector.shape_cast %slice3A_202 : vector<1x40xi32> to vector<40xi32>
    %reshape3A_204 = vector.shape_cast %squeeze3A_203 : vector<40xi32> to vector<40x1xi32>
    %slice3A_205 = vector.extract_strided_slice %get3A_16 {offsets = [3, 0], sizes = [1, 40], strides = [1, 1]} : vector<16x128xi32> to vector<1x40xi32>
    %squeeze3A_206 = vector.shape_cast %slice3A_205 : vector<1x40xi32> to vector<40xi32>
    %reshape3A_207 = vector.shape_cast %squeeze3A_206 : vector<40xi32> to vector<40x1xi32>
    %concatenate3A_208 = tpu.concatenate %reshape3A_204, %reshape3A_207 in 0 : vector<40x1xi32>, vector<40x1xi32> -> vector<80x1xi32>
    %eq3A_209 = vector.broadcast %concatenate3A_208 : vector<80x1xi32> to vector<80x2048xi32>
    %eq3A_210 = arith.cmpi eq, %iota3A, %eq3A_209 : vector<80x2048xi32>
    %convert_element_type3A_211 = arith.extui %eq3A_210 : vector<80x2048xi1> to vector<80x2048xi32>
    %convert_element_type3A_212 = arith.sitofp %convert_element_type3A_211 : vector<80x2048xi32> to vector<80x2048xf32>
    %le3A_213 = vector.broadcast %concatenate3A_208 : vector<80x1xi32> to vector<80x2048xi32>
    %le3A_214 = arith.cmpi sle, %iota3A, %le3A_213 : vector<80x2048xi32>
    %convert_element_type3A_215 = arith.extui %le3A_214 : vector<80x2048xi1> to vector<80x2048xi32>
    %convert_element_type3A_216 = arith.sitofp %convert_element_type3A_215 : vector<80x2048xi32> to vector<80x2048xf32>
    %slice3A_217 = vector.extract_strided_slice %get3A_29 {offsets = [2, 0, 0], sizes = [1, 40, 64], strides = [1, 1, 1]} : vector<12x40x64xf32> to vector<1x40x64xf32>
    %squeeze3A_218 = vector.shape_cast %slice3A_217 : vector<1x40x64xf32> to vector<40x64xf32>
    %concatenate3A_219 = tpu.concatenate %squeeze3A_218, %broadcast_in_dim3A_64 in 1 : vector<40x64xf32>, vector<40x64xf32> -> vector<40x128xf32>
    %slice3A_220 = vector.extract_strided_slice %get3A_29 {offsets = [3, 0, 0], sizes = [1, 40, 64], strides = [1, 1, 1]} : vector<12x40x64xf32> to vector<1x40x64xf32>
    %squeeze3A_221 = vector.shape_cast %slice3A_220 : vector<1x40x64xf32> to vector<40x64xf32>
    %concatenate3A_222 = tpu.concatenate %broadcast_in_dim3A_64, %squeeze3A_221 in 1 : vector<40x64xf32>, vector<40x64xf32> -> vector<40x128xf32>
    %concatenate3A_223 = tpu.concatenate %concatenate3A_219, %concatenate3A_222 in 0 : vector<40x128xf32>, vector<40x128xf32> -> vector<80x128xf32>
    %slice3A_224 = vector.extract_strided_slice %get3A_22 {offsets = [2, 0], sizes = [1, 40], strides = [1, 1]} : vector<16x128xi32> to vector<1x40xi32>
    %squeeze3A_225 = vector.shape_cast %slice3A_224 : vector<1x40xi32> to vector<40xi32>
    %reshape3A_226 = vector.shape_cast %squeeze3A_225 : vector<40xi32> to vector<40x1xi32>
    %slice3A_227 = vector.extract_strided_slice %get3A_22 {offsets = [3, 0], sizes = [1, 40], strides = [1, 1]} : vector<16x128xi32> to vector<1x40xi32>
    %squeeze3A_228 = vector.shape_cast %slice3A_227 : vector<1x40xi32> to vector<40xi32>
    %reshape3A_229 = vector.shape_cast %squeeze3A_228 : vector<40xi32> to vector<40x1xi32>
    %concatenate3A_230 = tpu.concatenate %reshape3A_226, %reshape3A_229 in 0 : vector<40x1xi32>, vector<40x1xi32> -> vector<80x1xi32>
    %eq3A_231 = vector.broadcast %concatenate3A_230 : vector<80x1xi32> to vector<80x2048xi32>
    %eq3A_232 = arith.cmpi eq, %iota3A, %eq3A_231 : vector<80x2048xi32>
    %convert_element_type3A_233 = arith.extui %eq3A_232 : vector<80x2048xi1> to vector<80x2048xi32>
    %convert_element_type3A_234 = arith.sitofp %convert_element_type3A_233 : vector<80x2048xi32> to vector<80x2048xf32>
    %le3A_235 = vector.broadcast %concatenate3A_230 : vector<80x1xi32> to vector<80x2048xi32>
    %le3A_236 = arith.cmpi sle, %iota3A, %le3A_235 : vector<80x2048xi32>
    %convert_element_type3A_237 = arith.extui %le3A_236 : vector<80x2048xi1> to vector<80x2048xi32>
    %convert_element_type3A_238 = arith.sitofp %convert_element_type3A_237 : vector<80x2048xi32> to vector<80x2048xf32>
    %slice3A_239 = vector.extract_strided_slice %get3A_36 {offsets = [2, 0, 0], sizes = [1, 40, 64], strides = [1, 1, 1]} : vector<12x40x64xf32> to vector<1x40x64xf32>
    %squeeze3A_240 = vector.shape_cast %slice3A_239 : vector<1x40x64xf32> to vector<40x64xf32>
    %concatenate3A_241 = tpu.concatenate %squeeze3A_240, %broadcast_in_dim3A_64 in 1 : vector<40x64xf32>, vector<40x64xf32> -> vector<40x128xf32>
    %slice3A_242 = vector.extract_strided_slice %get3A_36 {offsets = [3, 0, 0], sizes = [1, 40, 64], strides = [1, 1, 1]} : vector<12x40x64xf32> to vector<1x40x64xf32>
    %squeeze3A_243 = vector.shape_cast %slice3A_242 : vector<1x40x64xf32> to vector<40x64xf32>
    %concatenate3A_244 = tpu.concatenate %broadcast_in_dim3A_64, %squeeze3A_243 in 1 : vector<40x64xf32>, vector<40x64xf32> -> vector<40x128xf32>
    %concatenate3A_245 = tpu.concatenate %concatenate3A_241, %concatenate3A_244 in 0 : vector<40x128xf32>, vector<40x128xf32> -> vector<80x128xf32>
    %dot_general3A_246 = arith.constant dense<0.000000e+00> : vector<80x2048xf32>
    %dot_general3A_247 = tpu.matmul %concatenate3A_223, %slice3A_189, %dot_general3A_246 {dimension_numbers = #tpu.dot_dimension_numbers<[1], [1], [0], [0], [0, 0, 1, 0], [], []>, transpose_lhs_hint = false} : vector<80x128xf32>, vector<2048x128xf32>, vector<80x2048xf32> -> vector<80x2048xf32>
    %mul3A_248 = vector.broadcast %get3A_38 : f32 to vector<80x2048xf32>
    %mul3A_249 = arith.mulf %dot_general3A_247, %mul3A_248 : vector<80x2048xf32>
    %add3A_250 = vector.broadcast %get3A_40 : f32 to vector<80x2048xf32>
    %add3A_251 = arith.addf %mul3A_249, %add3A_250 : vector<80x2048xf32>
    %mul3A_252 = arith.constant 1.250000e-01 : f32
    %mul3A_253 = vector.broadcast %mul3A_252 : f32 to vector<80x2048xf32>
    %mul3A_254 = arith.mulf %add3A_251, %mul3A_253 : vector<80x2048xf32>
    %reduce_max3A_255 = arith.constant dense<0xFF800000> : vector<80xf32>
    %reduce_max3A_256 = vector.multi_reduction <maximumf>, %mul3A_254, %reduce_max3A_255 [1] : vector<80x2048xf32> to vector<80xf32>
    %broadcast_in_dim3A_257 = vector.shape_cast %reduce_max3A_256 : vector<80xf32> to vector<80x1xf32>
    %sub3A_258 = vector.broadcast %broadcast_in_dim3A_257 : vector<80x1xf32> to vector<80x2048xf32>
    %sub3A_259 = arith.subf %mul3A_254, %sub3A_258 : vector<80x2048xf32>
    %exp3A_260 = math.exp %sub3A_259 : vector<80x2048xf32>
    %reduce_sum3A_261 = arith.constant dense<0.000000e+00> : vector<80xf32>
    %reduce_sum3A_262 = vector.multi_reduction <add>, %exp3A_260, %reduce_sum3A_261 [1] : vector<80x2048xf32> to vector<80xf32>
    %broadcast_in_dim3A_263 = vector.shape_cast %reduce_sum3A_262 : vector<80xf32> to vector<80x1xf32>
    %div3A_264 = vector.broadcast %broadcast_in_dim3A_263 : vector<80x1xf32> to vector<80x2048xf32>
    %div3A_265 = arith.divf %exp3A_260, %div3A_264 : vector<80x2048xf32>
    %dot_general3A_266 = arith.constant dense<0.000000e+00> : vector<80x128xf32>
    %dot_general3A_267 = tpu.matmul %div3A_265, %slice3A_189, %dot_general3A_266 {dimension_numbers = #tpu.dot_dimension_numbers<[1], [0], [0], [1], [0, 0, 1, 1], [], []>, transpose_lhs_hint = false} : vector<80x2048xf32>, vector<2048x128xf32>, vector<80x128xf32> -> vector<80x128xf32>
    %dot_general3A_268 = arith.constant dense<0.000000e+00> : vector<80x128xf32>
    %dot_general3A_269 = tpu.matmul %convert_element_type3A_216, %slice3A_189, %dot_general3A_268 {dimension_numbers = #tpu.dot_dimension_numbers<[1], [0], [0], [1], [0, 0, 1, 1], [], []>, transpose_lhs_hint = false} : vector<80x2048xf32>, vector<2048x128xf32>, vector<80x128xf32> -> vector<80x128xf32>
    %sub3A_270 = arith.subf %dot_general3A_267, %dot_general3A_269 : vector<80x128xf32>
    %mul3A_271 = arith.mulf %sub3A_270, %convert_element_type3A_50 : vector<80x128xf32>
    %mul3A_272 = vector.broadcast %select_n3A_201 : vector<80x1xf32> to vector<80x128xf32>
    %mul3A_273 = arith.mulf %mul3A_271, %mul3A_272 : vector<80x128xf32>
    %dot_general3A_274 = arith.constant dense<0.000000e+00> : vector<80x2048xf32>
    %dot_general3A_275 = tpu.matmul %concatenate3A_245, %slice3A_190, %dot_general3A_274 {dimension_numbers = #tpu.dot_dimension_numbers<[1], [1], [0], [0], [0, 0, 1, 0], [], []>, transpose_lhs_hint = false} : vector<80x128xf32>, vector<2048x128xf32>, vector<80x2048xf32> -> vector<80x2048xf32>
    %mul3A_276 = vector.broadcast %get3A_38 : f32 to vector<80x2048xf32>
    %mul3A_277 = arith.mulf %dot_general3A_275, %mul3A_276 : vector<80x2048xf32>
    %add3A_278 = vector.broadcast %get3A_40 : f32 to vector<80x2048xf32>
    %add3A_279 = arith.addf %mul3A_277, %add3A_278 : vector<80x2048xf32>
    %mul3A_280 = arith.constant 1.250000e-01 : f32
    %mul3A_281 = vector.broadcast %mul3A_280 : f32 to vector<80x2048xf32>
    %mul3A_282 = arith.mulf %add3A_279, %mul3A_281 : vector<80x2048xf32>
    %reduce_max3A_283 = arith.constant dense<0xFF800000> : vector<80xf32>
    %reduce_max3A_284 = vector.multi_reduction <maximumf>, %mul3A_282, %reduce_max3A_283 [1] : vector<80x2048xf32> to vector<80xf32>
    %broadcast_in_dim3A_285 = vector.shape_cast %reduce_max3A_284 : vector<80xf32> to vector<80x1xf32>
    %sub3A_286 = vector.broadcast %broadcast_in_dim3A_285 : vector<80x1xf32> to vector<80x2048xf32>
    %sub3A_287 = arith.subf %mul3A_282, %sub3A_286 : vector<80x2048xf32>
    %exp3A_288 = math.exp %sub3A_287 : vector<80x2048xf32>
    %reduce_sum3A_289 = arith.constant dense<0.000000e+00> : vector<80xf32>
    %reduce_sum3A_290 = vector.multi_reduction <add>, %exp3A_288, %reduce_sum3A_289 [1] : vector<80x2048xf32> to vector<80xf32>
    %broadcast_in_dim3A_291 = vector.shape_cast %reduce_sum3A_290 : vector<80xf32> to vector<80x1xf32>
    %div3A_292 = vector.broadcast %broadcast_in_dim3A_291 : vector<80x1xf32> to vector<80x2048xf32>
    %div3A_293 = arith.divf %exp3A_288, %div3A_292 : vector<80x2048xf32>
    %dot_general3A_294 = arith.constant dense<0.000000e+00> : vector<80x128xf32>
    %dot_general3A_295 = tpu.matmul %div3A_293, %slice3A_190, %dot_general3A_294 {dimension_numbers = #tpu.dot_dimension_numbers<[1], [0], [0], [1], [0, 0, 1, 1], [], []>, transpose_lhs_hint = false} : vector<80x2048xf32>, vector<2048x128xf32>, vector<80x128xf32> -> vector<80x128xf32>
    %dot_general3A_296 = arith.constant dense<0.000000e+00> : vector<80x128xf32>
    %dot_general3A_297 = tpu.matmul %convert_element_type3A_238, %slice3A_189, %dot_general3A_296 {dimension_numbers = #tpu.dot_dimension_numbers<[1], [0], [0], [1], [0, 0, 1, 1], [], []>, transpose_lhs_hint = false} : vector<80x2048xf32>, vector<2048x128xf32>, vector<80x128xf32> -> vector<80x128xf32>
    %sub3A_298 = arith.subf %dot_general3A_295, %dot_general3A_297 : vector<80x128xf32>
    %mul3A_299 = arith.mulf %sub3A_298, %convert_element_type3A_50 : vector<80x128xf32>
    %mul3A_300 = vector.broadcast %select_n3A_201 : vector<80x1xf32> to vector<80x128xf32>
    %mul3A_301 = arith.mulf %mul3A_299, %mul3A_300 : vector<80x128xf32>
    %reshape3A_302 = vector.shape_cast %concatenate3A_230 : vector<80x1xi32> to vector<1x80xi32>
    %eq3A_303 = vector.broadcast %concatenate3A_208 : vector<80x1xi32> to vector<80x80xi32>
    %eq3A_304 = vector.broadcast %reshape3A_302 : vector<1x80xi32> to vector<80x80xi32>
    %eq3A_305 = arith.cmpi eq, %eq3A_303, %eq3A_304 : vector<80x80xi32>
    %convert_element_type3A_306 = arith.extui %eq3A_305 : vector<80x80xi1> to vector<80x80xi32>
    %convert_element_type3A_307 = arith.sitofp %convert_element_type3A_306 : vector<80x80xi32> to vector<80x80xf32>
    %mul3A_308 = arith.mulf %convert_element_type3A_307, %convert_element_type3A_63 : vector<80x80xf32>
    %reduce_max3A_309 = arith.constant dense<0xFF800000> : vector<80xf32>
    %reduce_max3A_310 = vector.multi_reduction <maximumf>, %mul3A_308, %reduce_max3A_309 [1] : vector<80x80xf32> to vector<80xf32>
    %broadcast_in_dim3A_311 = vector.shape_cast %reduce_max3A_310 : vector<80xf32> to vector<80x1xf32>
    %sub3A_312 = arith.constant 1.000000e+00 : f32
    %sub3A_313 = vector.broadcast %sub3A_312 : f32 to vector<80x1xf32>
    %sub3A_314 = arith.subf %sub3A_313, %broadcast_in_dim3A_311 : vector<80x1xf32>
    %mul3A_315 = vector.broadcast %sub3A_314 : vector<80x1xf32> to vector<80x128xf32>
    %mul3A_316 = arith.mulf %mul3A_273, %mul3A_315 : vector<80x128xf32>
    %concatenate3A_317 = tpu.concatenate %convert_element_type3A_212, %convert_element_type3A_234 in 0 : vector<80x2048xf32>, vector<80x2048xf32> -> vector<160x2048xf32>
    %concatenate3A_318 = tpu.concatenate %mul3A_316, %mul3A_301 in 0 : vector<80x128xf32>, vector<80x128xf32> -> vector<160x128xf32>
    %dot_general3A_319 = arith.constant dense<0.000000e+00> : vector<2048x128xf32>
    %dot_general3A_320 = tpu.matmul %concatenate3A_317, %concatenate3A_318, %dot_general3A_319 {dimension_numbers = #tpu.dot_dimension_numbers<[0], [0], [1], [1], [0, 1, 1, 1], [], []>, transpose_lhs_hint = false} : vector<160x2048xf32>, vector<160x128xf32>, vector<2048x128xf32> -> vector<2048x128xf32>
    %slice3A_321 = vector.extract_strided_slice %dot_general3A_320 {offsets = [0, 0], sizes = [2048, 64], strides = [1, 1]} : vector<2048x128xf32> to vector<2048x64xf32>
    %add3A_322 = arith.addf %add3A_188, %slice3A_321 : vector<2048x64xf32>
    %slice3A_323 = vector.extract_strided_slice %dot_general3A_320 {offsets = [0, 64], sizes = [2048, 64], strides = [1, 1]} : vector<2048x128xf32> to vector<2048x64xf32>
    %add3A_324 = arith.addf %add3A_322, %slice3A_323 : vector<2048x64xf32>
    %slice3A_325 = vector.extract_strided_slice %get3A_4 {offsets = [0, 256], sizes = [2048, 128], strides = [1, 1]} : vector<2048x768xf32> to vector<2048x128xf32>
    %slice3A_326 = vector.extract_strided_slice %get3A_10 {offsets = [0, 256], sizes = [2048, 128], strides = [1, 1]} : vector<2048x768xf32> to vector<2048x128xf32>
    %slice3A_327 = vector.extract_strided_slice %iota3A_41 {offsets = [0, 0], sizes = [80, 1], strides = [1, 1]} : vector<80x128xi32> to vector<80x1xi32>
    %lt3A_328 = arith.constant 40 : i32
    %lt3A_329 = vector.broadcast %lt3A_328 : i32 to vector<80x1xi32>
    %lt3A_330 = arith.cmpi slt, %slice3A_327, %lt3A_329 : vector<80x1xi32>
    %get3A_331 = arith.constant 4 : index
    %get3A_332 = memref.load %arg8[%get3A_331] : memref<16xf32, #tpu.memory_space<smem>>
    %get3A_333 = arith.constant 5 : index
    %get3A_334 = memref.load %arg8[%get3A_333] : memref<16xf32, #tpu.memory_space<smem>>
    %broadcast_in_dim3A_335 = vector.broadcast %get3A_332 : f32 to vector<80x1xf32>
    %broadcast_in_dim3A_336 = vector.broadcast %get3A_334 : f32 to vector<80x1xf32>
    %select_n3A_337 = arith.select %lt3A_330, %broadcast_in_dim3A_335, %broadcast_in_dim3A_336 : vector<80x1xi1>, vector<80x1xf32>
    %slice3A_338 = vector.extract_strided_slice %get3A_16 {offsets = [4, 0], sizes = [1, 40], strides = [1, 1]} : vector<16x128xi32> to vector<1x40xi32>
    %squeeze3A_339 = vector.shape_cast %slice3A_338 : vector<1x40xi32> to vector<40xi32>
    %reshape3A_340 = vector.shape_cast %squeeze3A_339 : vector<40xi32> to vector<40x1xi32>
    %slice3A_341 = vector.extract_strided_slice %get3A_16 {offsets = [5, 0], sizes = [1, 40], strides = [1, 1]} : vector<16x128xi32> to vector<1x40xi32>
    %squeeze3A_342 = vector.shape_cast %slice3A_341 : vector<1x40xi32> to vector<40xi32>
    %reshape3A_343 = vector.shape_cast %squeeze3A_342 : vector<40xi32> to vector<40x1xi32>
    %concatenate3A_344 = tpu.concatenate %reshape3A_340, %reshape3A_343 in 0 : vector<40x1xi32>, vector<40x1xi32> -> vector<80x1xi32>
    %eq3A_345 = vector.broadcast %concatenate3A_344 : vector<80x1xi32> to vector<80x2048xi32>
    %eq3A_346 = arith.cmpi eq, %iota3A, %eq3A_345 : vector<80x2048xi32>
    %convert_element_type3A_347 = arith.extui %eq3A_346 : vector<80x2048xi1> to vector<80x2048xi32>
    %convert_element_type3A_348 = arith.sitofp %convert_element_type3A_347 : vector<80x2048xi32> to vector<80x2048xf32>
    %le3A_349 = vector.broadcast %concatenate3A_344 : vector<80x1xi32> to vector<80x2048xi32>
    %le3A_350 = arith.cmpi sle, %iota3A, %le3A_349 : vector<80x2048xi32>
    %convert_element_type3A_351 = arith.extui %le3A_350 : vector<80x2048xi1> to vector<80x2048xi32>
    %convert_element_type3A_352 = arith.sitofp %convert_element_type3A_351 : vector<80x2048xi32> to vector<80x2048xf32>
    %slice3A_353 = vector.extract_strided_slice %get3A_29 {offsets = [4, 0, 0], sizes = [1, 40, 64], strides = [1, 1, 1]} : vector<12x40x64xf32> to vector<1x40x64xf32>
    %squeeze3A_354 = vector.shape_cast %slice3A_353 : vector<1x40x64xf32> to vector<40x64xf32>
    %concatenate3A_355 = tpu.concatenate %squeeze3A_354, %broadcast_in_dim3A_64 in 1 : vector<40x64xf32>, vector<40x64xf32> -> vector<40x128xf32>
    %slice3A_356 = vector.extract_strided_slice %get3A_29 {offsets = [5, 0, 0], sizes = [1, 40, 64], strides = [1, 1, 1]} : vector<12x40x64xf32> to vector<1x40x64xf32>
    %squeeze3A_357 = vector.shape_cast %slice3A_356 : vector<1x40x64xf32> to vector<40x64xf32>
    %concatenate3A_358 = tpu.concatenate %broadcast_in_dim3A_64, %squeeze3A_357 in 1 : vector<40x64xf32>, vector<40x64xf32> -> vector<40x128xf32>
    %concatenate3A_359 = tpu.concatenate %concatenate3A_355, %concatenate3A_358 in 0 : vector<40x128xf32>, vector<40x128xf32> -> vector<80x128xf32>
    %slice3A_360 = vector.extract_strided_slice %get3A_22 {offsets = [4, 0], sizes = [1, 40], strides = [1, 1]} : vector<16x128xi32> to vector<1x40xi32>
    %squeeze3A_361 = vector.shape_cast %slice3A_360 : vector<1x40xi32> to vector<40xi32>
    %reshape3A_362 = vector.shape_cast %squeeze3A_361 : vector<40xi32> to vector<40x1xi32>
    %slice3A_363 = vector.extract_strided_slice %get3A_22 {offsets = [5, 0], sizes = [1, 40], strides = [1, 1]} : vector<16x128xi32> to vector<1x40xi32>
    %squeeze3A_364 = vector.shape_cast %slice3A_363 : vector<1x40xi32> to vector<40xi32>
    %reshape3A_365 = vector.shape_cast %squeeze3A_364 : vector<40xi32> to vector<40x1xi32>
    %concatenate3A_366 = tpu.concatenate %reshape3A_362, %reshape3A_365 in 0 : vector<40x1xi32>, vector<40x1xi32> -> vector<80x1xi32>
    %eq3A_367 = vector.broadcast %concatenate3A_366 : vector<80x1xi32> to vector<80x2048xi32>
    %eq3A_368 = arith.cmpi eq, %iota3A, %eq3A_367 : vector<80x2048xi32>
    %convert_element_type3A_369 = arith.extui %eq3A_368 : vector<80x2048xi1> to vector<80x2048xi32>
    %convert_element_type3A_370 = arith.sitofp %convert_element_type3A_369 : vector<80x2048xi32> to vector<80x2048xf32>
    %le3A_371 = vector.broadcast %concatenate3A_366 : vector<80x1xi32> to vector<80x2048xi32>
    %le3A_372 = arith.cmpi sle, %iota3A, %le3A_371 : vector<80x2048xi32>
    %convert_element_type3A_373 = arith.extui %le3A_372 : vector<80x2048xi1> to vector<80x2048xi32>
    %convert_element_type3A_374 = arith.sitofp %convert_element_type3A_373 : vector<80x2048xi32> to vector<80x2048xf32>
    %slice3A_375 = vector.extract_strided_slice %get3A_36 {offsets = [4, 0, 0], sizes = [1, 40, 64], strides = [1, 1, 1]} : vector<12x40x64xf32> to vector<1x40x64xf32>
    %squeeze3A_376 = vector.shape_cast %slice3A_375 : vector<1x40x64xf32> to vector<40x64xf32>
    %concatenate3A_377 = tpu.concatenate %squeeze3A_376, %broadcast_in_dim3A_64 in 1 : vector<40x64xf32>, vector<40x64xf32> -> vector<40x128xf32>
    %slice3A_378 = vector.extract_strided_slice %get3A_36 {offsets = [5, 0, 0], sizes = [1, 40, 64], strides = [1, 1, 1]} : vector<12x40x64xf32> to vector<1x40x64xf32>
    %squeeze3A_379 = vector.shape_cast %slice3A_378 : vector<1x40x64xf32> to vector<40x64xf32>
    %concatenate3A_380 = tpu.concatenate %broadcast_in_dim3A_64, %squeeze3A_379 in 1 : vector<40x64xf32>, vector<40x64xf32> -> vector<40x128xf32>
    %concatenate3A_381 = tpu.concatenate %concatenate3A_377, %concatenate3A_380 in 0 : vector<40x128xf32>, vector<40x128xf32> -> vector<80x128xf32>
    %dot_general3A_382 = arith.constant dense<0.000000e+00> : vector<80x2048xf32>
    %dot_general3A_383 = tpu.matmul %concatenate3A_359, %slice3A_325, %dot_general3A_382 {dimension_numbers = #tpu.dot_dimension_numbers<[1], [1], [0], [0], [0, 0, 1, 0], [], []>, transpose_lhs_hint = false} : vector<80x128xf32>, vector<2048x128xf32>, vector<80x2048xf32> -> vector<80x2048xf32>
    %mul3A_384 = vector.broadcast %get3A_38 : f32 to vector<80x2048xf32>
    %mul3A_385 = arith.mulf %dot_general3A_383, %mul3A_384 : vector<80x2048xf32>
    %add3A_386 = vector.broadcast %get3A_40 : f32 to vector<80x2048xf32>
    %add3A_387 = arith.addf %mul3A_385, %add3A_386 : vector<80x2048xf32>
    %mul3A_388 = arith.constant 1.250000e-01 : f32
    %mul3A_389 = vector.broadcast %mul3A_388 : f32 to vector<80x2048xf32>
    %mul3A_390 = arith.mulf %add3A_387, %mul3A_389 : vector<80x2048xf32>
    %reduce_max3A_391 = arith.constant dense<0xFF800000> : vector<80xf32>
    %reduce_max3A_392 = vector.multi_reduction <maximumf>, %mul3A_390, %reduce_max3A_391 [1] : vector<80x2048xf32> to vector<80xf32>
    %broadcast_in_dim3A_393 = vector.shape_cast %reduce_max3A_392 : vector<80xf32> to vector<80x1xf32>
    %sub3A_394 = vector.broadcast %broadcast_in_dim3A_393 : vector<80x1xf32> to vector<80x2048xf32>
    %sub3A_395 = arith.subf %mul3A_390, %sub3A_394 : vector<80x2048xf32>
    %exp3A_396 = math.exp %sub3A_395 : vector<80x2048xf32>
    %reduce_sum3A_397 = arith.constant dense<0.000000e+00> : vector<80xf32>
    %reduce_sum3A_398 = vector.multi_reduction <add>, %exp3A_396, %reduce_sum3A_397 [1] : vector<80x2048xf32> to vector<80xf32>
    %broadcast_in_dim3A_399 = vector.shape_cast %reduce_sum3A_398 : vector<80xf32> to vector<80x1xf32>
    %div3A_400 = vector.broadcast %broadcast_in_dim3A_399 : vector<80x1xf32> to vector<80x2048xf32>
    %div3A_401 = arith.divf %exp3A_396, %div3A_400 : vector<80x2048xf32>
    %dot_general3A_402 = arith.constant dense<0.000000e+00> : vector<80x128xf32>
    %dot_general3A_403 = tpu.matmul %div3A_401, %slice3A_325, %dot_general3A_402 {dimension_numbers = #tpu.dot_dimension_numbers<[1], [0], [0], [1], [0, 0, 1, 1], [], []>, transpose_lhs_hint = false} : vector<80x2048xf32>, vector<2048x128xf32>, vector<80x128xf32> -> vector<80x128xf32>
    %dot_general3A_404 = arith.constant dense<0.000000e+00> : vector<80x128xf32>
    %dot_general3A_405 = tpu.matmul %convert_element_type3A_352, %slice3A_325, %dot_general3A_404 {dimension_numbers = #tpu.dot_dimension_numbers<[1], [0], [0], [1], [0, 0, 1, 1], [], []>, transpose_lhs_hint = false} : vector<80x2048xf32>, vector<2048x128xf32>, vector<80x128xf32> -> vector<80x128xf32>
    %sub3A_406 = arith.subf %dot_general3A_403, %dot_general3A_405 : vector<80x128xf32>
    %mul3A_407 = arith.mulf %sub3A_406, %convert_element_type3A_50 : vector<80x128xf32>
    %mul3A_408 = vector.broadcast %select_n3A_337 : vector<80x1xf32> to vector<80x128xf32>
    %mul3A_409 = arith.mulf %mul3A_407, %mul3A_408 : vector<80x128xf32>
    %dot_general3A_410 = arith.constant dense<0.000000e+00> : vector<80x2048xf32>
    %dot_general3A_411 = tpu.matmul %concatenate3A_381, %slice3A_326, %dot_general3A_410 {dimension_numbers = #tpu.dot_dimension_numbers<[1], [1], [0], [0], [0, 0, 1, 0], [], []>, transpose_lhs_hint = false} : vector<80x128xf32>, vector<2048x128xf32>, vector<80x2048xf32> -> vector<80x2048xf32>
    %mul3A_412 = vector.broadcast %get3A_38 : f32 to vector<80x2048xf32>
    %mul3A_413 = arith.mulf %dot_general3A_411, %mul3A_412 : vector<80x2048xf32>
    %add3A_414 = vector.broadcast %get3A_40 : f32 to vector<80x2048xf32>
    %add3A_415 = arith.addf %mul3A_413, %add3A_414 : vector<80x2048xf32>
    %mul3A_416 = arith.constant 1.250000e-01 : f32
    %mul3A_417 = vector.broadcast %mul3A_416 : f32 to vector<80x2048xf32>
    %mul3A_418 = arith.mulf %add3A_415, %mul3A_417 : vector<80x2048xf32>
    %reduce_max3A_419 = arith.constant dense<0xFF800000> : vector<80xf32>
    %reduce_max3A_420 = vector.multi_reduction <maximumf>, %mul3A_418, %reduce_max3A_419 [1] : vector<80x2048xf32> to vector<80xf32>
    %broadcast_in_dim3A_421 = vector.shape_cast %reduce_max3A_420 : vector<80xf32> to vector<80x1xf32>
    %sub3A_422 = vector.broadcast %broadcast_in_dim3A_421 : vector<80x1xf32> to vector<80x2048xf32>
    %sub3A_423 = arith.subf %mul3A_418, %sub3A_422 : vector<80x2048xf32>
    %exp3A_424 = math.exp %sub3A_423 : vector<80x2048xf32>
    %reduce_sum3A_425 = arith.constant dense<0.000000e+00> : vector<80xf32>
    %reduce_sum3A_426 = vector.multi_reduction <add>, %exp3A_424, %reduce_sum3A_425 [1] : vector<80x2048xf32> to vector<80xf32>
    %broadcast_in_dim3A_427 = vector.shape_cast %reduce_sum3A_426 : vector<80xf32> to vector<80x1xf32>
    %div3A_428 = vector.broadcast %broadcast_in_dim3A_427 : vector<80x1xf32> to vector<80x2048xf32>
    %div3A_429 = arith.divf %exp3A_424, %div3A_428 : vector<80x2048xf32>
    %dot_general3A_430 = arith.constant dense<0.000000e+00> : vector<80x128xf32>
    %dot_general3A_431 = tpu.matmul %div3A_429, %slice3A_326, %dot_general3A_430 {dimension_numbers = #tpu.dot_dimension_numbers<[1], [0], [0], [1], [0, 0, 1, 1], [], []>, transpose_lhs_hint = false} : vector<80x2048xf32>, vector<2048x128xf32>, vector<80x128xf32> -> vector<80x128xf32>
    %dot_general3A_432 = arith.constant dense<0.000000e+00> : vector<80x128xf32>
    %dot_general3A_433 = tpu.matmul %convert_element_type3A_374, %slice3A_325, %dot_general3A_432 {dimension_numbers = #tpu.dot_dimension_numbers<[1], [0], [0], [1], [0, 0, 1, 1], [], []>, transpose_lhs_hint = false} : vector<80x2048xf32>, vector<2048x128xf32>, vector<80x128xf32> -> vector<80x128xf32>
    %sub3A_434 = arith.subf %dot_general3A_431, %dot_general3A_433 : vector<80x128xf32>
    %mul3A_435 = arith.mulf %sub3A_434, %convert_element_type3A_50 : vector<80x128xf32>
    %mul3A_436 = vector.broadcast %select_n3A_337 : vector<80x1xf32> to vector<80x128xf32>
    %mul3A_437 = arith.mulf %mul3A_435, %mul3A_436 : vector<80x128xf32>
    %reshape3A_438 = vector.shape_cast %concatenate3A_366 : vector<80x1xi32> to vector<1x80xi32>
    %eq3A_439 = vector.broadcast %concatenate3A_344 : vector<80x1xi32> to vector<80x80xi32>
    %eq3A_440 = vector.broadcast %reshape3A_438 : vector<1x80xi32> to vector<80x80xi32>
    %eq3A_441 = arith.cmpi eq, %eq3A_439, %eq3A_440 : vector<80x80xi32>
    %convert_element_type3A_442 = arith.extui %eq3A_441 : vector<80x80xi1> to vector<80x80xi32>
    %convert_element_type3A_443 = arith.sitofp %convert_element_type3A_442 : vector<80x80xi32> to vector<80x80xf32>
    %mul3A_444 = arith.mulf %convert_element_type3A_443, %convert_element_type3A_63 : vector<80x80xf32>
    %reduce_max3A_445 = arith.constant dense<0xFF800000> : vector<80xf32>
    %reduce_max3A_446 = vector.multi_reduction <maximumf>, %mul3A_444, %reduce_max3A_445 [1] : vector<80x80xf32> to vector<80xf32>
    %broadcast_in_dim3A_447 = vector.shape_cast %reduce_max3A_446 : vector<80xf32> to vector<80x1xf32>
    %sub3A_448 = arith.constant 1.000000e+00 : f32
    %sub3A_449 = vector.broadcast %sub3A_448 : f32 to vector<80x1xf32>
    %sub3A_450 = arith.subf %sub3A_449, %broadcast_in_dim3A_447 : vector<80x1xf32>
    %mul3A_451 = vector.broadcast %sub3A_450 : vector<80x1xf32> to vector<80x128xf32>
    %mul3A_452 = arith.mulf %mul3A_409, %mul3A_451 : vector<80x128xf32>
    %concatenate3A_453 = tpu.concatenate %convert_element_type3A_348, %convert_element_type3A_370 in 0 : vector<80x2048xf32>, vector<80x2048xf32> -> vector<160x2048xf32>
    %concatenate3A_454 = tpu.concatenate %mul3A_452, %mul3A_437 in 0 : vector<80x128xf32>, vector<80x128xf32> -> vector<160x128xf32>
    %dot_general3A_455 = arith.constant dense<0.000000e+00> : vector<2048x128xf32>
    %dot_general3A_456 = tpu.matmul %concatenate3A_453, %concatenate3A_454, %dot_general3A_455 {dimension_numbers = #tpu.dot_dimension_numbers<[0], [0], [1], [1], [0, 1, 1, 1], [], []>, transpose_lhs_hint = false} : vector<160x2048xf32>, vector<160x128xf32>, vector<2048x128xf32> -> vector<2048x128xf32>
    %slice3A_457 = vector.extract_strided_slice %dot_general3A_456 {offsets = [0, 0], sizes = [2048, 64], strides = [1, 1]} : vector<2048x128xf32> to vector<2048x64xf32>
    %add3A_458 = arith.addf %add3A_324, %slice3A_457 : vector<2048x64xf32>
    %slice3A_459 = vector.extract_strided_slice %dot_general3A_456 {offsets = [0, 64], sizes = [2048, 64], strides = [1, 1]} : vector<2048x128xf32> to vector<2048x64xf32>
    %add3A_460 = arith.addf %add3A_458, %slice3A_459 : vector<2048x64xf32>
    %slice3A_461 = vector.extract_strided_slice %get3A_4 {offsets = [0, 384], sizes = [2048, 128], strides = [1, 1]} : vector<2048x768xf32> to vector<2048x128xf32>
    %slice3A_462 = vector.extract_strided_slice %get3A_10 {offsets = [0, 384], sizes = [2048, 128], strides = [1, 1]} : vector<2048x768xf32> to vector<2048x128xf32>
    %slice3A_463 = vector.extract_strided_slice %iota3A_41 {offsets = [0, 0], sizes = [80, 1], strides = [1, 1]} : vector<80x128xi32> to vector<80x1xi32>
    %lt3A_464 = arith.constant 40 : i32
    %lt3A_465 = vector.broadcast %lt3A_464 : i32 to vector<80x1xi32>
    %lt3A_466 = arith.cmpi slt, %slice3A_463, %lt3A_465 : vector<80x1xi32>
    %get3A_467 = arith.constant 6 : index
    %get3A_468 = memref.load %arg8[%get3A_467] : memref<16xf32, #tpu.memory_space<smem>>
    %get3A_469 = arith.constant 7 : index
    %get3A_470 = memref.load %arg8[%get3A_469] : memref<16xf32, #tpu.memory_space<smem>>
    %broadcast_in_dim3A_471 = vector.broadcast %get3A_468 : f32 to vector<80x1xf32>
    %broadcast_in_dim3A_472 = vector.broadcast %get3A_470 : f32 to vector<80x1xf32>
    %select_n3A_473 = arith.select %lt3A_466, %broadcast_in_dim3A_471, %broadcast_in_dim3A_472 : vector<80x1xi1>, vector<80x1xf32>
    %slice3A_474 = vector.extract_strided_slice %get3A_16 {offsets = [6, 0], sizes = [1, 40], strides = [1, 1]} : vector<16x128xi32> to vector<1x40xi32>
    %squeeze3A_475 = vector.shape_cast %slice3A_474 : vector<1x40xi32> to vector<40xi32>
    %reshape3A_476 = vector.shape_cast %squeeze3A_475 : vector<40xi32> to vector<40x1xi32>
    %slice3A_477 = vector.extract_strided_slice %get3A_16 {offsets = [7, 0], sizes = [1, 40], strides = [1, 1]} : vector<16x128xi32> to vector<1x40xi32>
    %squeeze3A_478 = vector.shape_cast %slice3A_477 : vector<1x40xi32> to vector<40xi32>
    %reshape3A_479 = vector.shape_cast %squeeze3A_478 : vector<40xi32> to vector<40x1xi32>
    %concatenate3A_480 = tpu.concatenate %reshape3A_476, %reshape3A_479 in 0 : vector<40x1xi32>, vector<40x1xi32> -> vector<80x1xi32>
    %eq3A_481 = vector.broadcast %concatenate3A_480 : vector<80x1xi32> to vector<80x2048xi32>
    %eq3A_482 = arith.cmpi eq, %iota3A, %eq3A_481 : vector<80x2048xi32>
    %convert_element_type3A_483 = arith.extui %eq3A_482 : vector<80x2048xi1> to vector<80x2048xi32>
    %convert_element_type3A_484 = arith.sitofp %convert_element_type3A_483 : vector<80x2048xi32> to vector<80x2048xf32>
    %le3A_485 = vector.broadcast %concatenate3A_480 : vector<80x1xi32> to vector<80x2048xi32>
    %le3A_486 = arith.cmpi sle, %iota3A, %le3A_485 : vector<80x2048xi32>
    %convert_element_type3A_487 = arith.extui %le3A_486 : vector<80x2048xi1> to vector<80x2048xi32>
    %convert_element_type3A_488 = arith.sitofp %convert_element_type3A_487 : vector<80x2048xi32> to vector<80x2048xf32>
    %slice3A_489 = vector.extract_strided_slice %get3A_29 {offsets = [6, 0, 0], sizes = [1, 40, 64], strides = [1, 1, 1]} : vector<12x40x64xf32> to vector<1x40x64xf32>
    %squeeze3A_490 = vector.shape_cast %slice3A_489 : vector<1x40x64xf32> to vector<40x64xf32>
    %concatenate3A_491 = tpu.concatenate %squeeze3A_490, %broadcast_in_dim3A_64 in 1 : vector<40x64xf32>, vector<40x64xf32> -> vector<40x128xf32>
    %slice3A_492 = vector.extract_strided_slice %get3A_29 {offsets = [7, 0, 0], sizes = [1, 40, 64], strides = [1, 1, 1]} : vector<12x40x64xf32> to vector<1x40x64xf32>
    %squeeze3A_493 = vector.shape_cast %slice3A_492 : vector<1x40x64xf32> to vector<40x64xf32>
    %concatenate3A_494 = tpu.concatenate %broadcast_in_dim3A_64, %squeeze3A_493 in 1 : vector<40x64xf32>, vector<40x64xf32> -> vector<40x128xf32>
    %concatenate3A_495 = tpu.concatenate %concatenate3A_491, %concatenate3A_494 in 0 : vector<40x128xf32>, vector<40x128xf32> -> vector<80x128xf32>
    %slice3A_496 = vector.extract_strided_slice %get3A_22 {offsets = [6, 0], sizes = [1, 40], strides = [1, 1]} : vector<16x128xi32> to vector<1x40xi32>
    %squeeze3A_497 = vector.shape_cast %slice3A_496 : vector<1x40xi32> to vector<40xi32>
    %reshape3A_498 = vector.shape_cast %squeeze3A_497 : vector<40xi32> to vector<40x1xi32>
    %slice3A_499 = vector.extract_strided_slice %get3A_22 {offsets = [7, 0], sizes = [1, 40], strides = [1, 1]} : vector<16x128xi32> to vector<1x40xi32>
    %squeeze3A_500 = vector.shape_cast %slice3A_499 : vector<1x40xi32> to vector<40xi32>
    %reshape3A_501 = vector.shape_cast %squeeze3A_500 : vector<40xi32> to vector<40x1xi32>
    %concatenate3A_502 = tpu.concatenate %reshape3A_498, %reshape3A_501 in 0 : vector<40x1xi32>, vector<40x1xi32> -> vector<80x1xi32>
    %eq3A_503 = vector.broadcast %concatenate3A_502 : vector<80x1xi32> to vector<80x2048xi32>
    %eq3A_504 = arith.cmpi eq, %iota3A, %eq3A_503 : vector<80x2048xi32>
    %convert_element_type3A_505 = arith.extui %eq3A_504 : vector<80x2048xi1> to vector<80x2048xi32>
    %convert_element_type3A_506 = arith.sitofp %convert_element_type3A_505 : vector<80x2048xi32> to vector<80x2048xf32>
    %le3A_507 = vector.broadcast %concatenate3A_502 : vector<80x1xi32> to vector<80x2048xi32>
    %le3A_508 = arith.cmpi sle, %iota3A, %le3A_507 : vector<80x2048xi32>
    %convert_element_type3A_509 = arith.extui %le3A_508 : vector<80x2048xi1> to vector<80x2048xi32>
    %convert_element_type3A_510 = arith.sitofp %convert_element_type3A_509 : vector<80x2048xi32> to vector<80x2048xf32>
    %slice3A_511 = vector.extract_strided_slice %get3A_36 {offsets = [6, 0, 0], sizes = [1, 40, 64], strides = [1, 1, 1]} : vector<12x40x64xf32> to vector<1x40x64xf32>
    %squeeze3A_512 = vector.shape_cast %slice3A_511 : vector<1x40x64xf32> to vector<40x64xf32>
    %concatenate3A_513 = tpu.concatenate %squeeze3A_512, %broadcast_in_dim3A_64 in 1 : vector<40x64xf32>, vector<40x64xf32> -> vector<40x128xf32>
    %slice3A_514 = vector.extract_strided_slice %get3A_36 {offsets = [7, 0, 0], sizes = [1, 40, 64], strides = [1, 1, 1]} : vector<12x40x64xf32> to vector<1x40x64xf32>
    %squeeze3A_515 = vector.shape_cast %slice3A_514 : vector<1x40x64xf32> to vector<40x64xf32>
    %concatenate3A_516 = tpu.concatenate %broadcast_in_dim3A_64, %squeeze3A_515 in 1 : vector<40x64xf32>, vector<40x64xf32> -> vector<40x128xf32>
    %concatenate3A_517 = tpu.concatenate %concatenate3A_513, %concatenate3A_516 in 0 : vector<40x128xf32>, vector<40x128xf32> -> vector<80x128xf32>
    %dot_general3A_518 = arith.constant dense<0.000000e+00> : vector<80x2048xf32>
    %dot_general3A_519 = tpu.matmul %concatenate3A_495, %slice3A_461, %dot_general3A_518 {dimension_numbers = #tpu.dot_dimension_numbers<[1], [1], [0], [0], [0, 0, 1, 0], [], []>, transpose_lhs_hint = false} : vector<80x128xf32>, vector<2048x128xf32>, vector<80x2048xf32> -> vector<80x2048xf32>
    %mul3A_520 = vector.broadcast %get3A_38 : f32 to vector<80x2048xf32>
    %mul3A_521 = arith.mulf %dot_general3A_519, %mul3A_520 : vector<80x2048xf32>
    %add3A_522 = vector.broadcast %get3A_40 : f32 to vector<80x2048xf32>
    %add3A_523 = arith.addf %mul3A_521, %add3A_522 : vector<80x2048xf32>
    %mul3A_524 = arith.constant 1.250000e-01 : f32
    %mul3A_525 = vector.broadcast %mul3A_524 : f32 to vector<80x2048xf32>
    %mul3A_526 = arith.mulf %add3A_523, %mul3A_525 : vector<80x2048xf32>
    %reduce_max3A_527 = arith.constant dense<0xFF800000> : vector<80xf32>
    %reduce_max3A_528 = vector.multi_reduction <maximumf>, %mul3A_526, %reduce_max3A_527 [1] : vector<80x2048xf32> to vector<80xf32>
    %broadcast_in_dim3A_529 = vector.shape_cast %reduce_max3A_528 : vector<80xf32> to vector<80x1xf32>
    %sub3A_530 = vector.broadcast %broadcast_in_dim3A_529 : vector<80x1xf32> to vector<80x2048xf32>
    %sub3A_531 = arith.subf %mul3A_526, %sub3A_530 : vector<80x2048xf32>
    %exp3A_532 = math.exp %sub3A_531 : vector<80x2048xf32>
    %reduce_sum3A_533 = arith.constant dense<0.000000e+00> : vector<80xf32>
    %reduce_sum3A_534 = vector.multi_reduction <add>, %exp3A_532, %reduce_sum3A_533 [1] : vector<80x2048xf32> to vector<80xf32>
    %broadcast_in_dim3A_535 = vector.shape_cast %reduce_sum3A_534 : vector<80xf32> to vector<80x1xf32>
    %div3A_536 = vector.broadcast %broadcast_in_dim3A_535 : vector<80x1xf32> to vector<80x2048xf32>
    %div3A_537 = arith.divf %exp3A_532, %div3A_536 : vector<80x2048xf32>
    %dot_general3A_538 = arith.constant dense<0.000000e+00> : vector<80x128xf32>
    %dot_general3A_539 = tpu.matmul %div3A_537, %slice3A_461, %dot_general3A_538 {dimension_numbers = #tpu.dot_dimension_numbers<[1], [0], [0], [1], [0, 0, 1, 1], [], []>, transpose_lhs_hint = false} : vector<80x2048xf32>, vector<2048x128xf32>, vector<80x128xf32> -> vector<80x128xf32>
    %dot_general3A_540 = arith.constant dense<0.000000e+00> : vector<80x128xf32>
    %dot_general3A_541 = tpu.matmul %convert_element_type3A_488, %slice3A_461, %dot_general3A_540 {dimension_numbers = #tpu.dot_dimension_numbers<[1], [0], [0], [1], [0, 0, 1, 1], [], []>, transpose_lhs_hint = false} : vector<80x2048xf32>, vector<2048x128xf32>, vector<80x128xf32> -> vector<80x128xf32>
    %sub3A_542 = arith.subf %dot_general3A_539, %dot_general3A_541 : vector<80x128xf32>
    %mul3A_543 = arith.mulf %sub3A_542, %convert_element_type3A_50 : vector<80x128xf32>
    %mul3A_544 = vector.broadcast %select_n3A_473 : vector<80x1xf32> to vector<80x128xf32>
    %mul3A_545 = arith.mulf %mul3A_543, %mul3A_544 : vector<80x128xf32>
    %dot_general3A_546 = arith.constant dense<0.000000e+00> : vector<80x2048xf32>
    %dot_general3A_547 = tpu.matmul %concatenate3A_517, %slice3A_462, %dot_general3A_546 {dimension_numbers = #tpu.dot_dimension_numbers<[1], [1], [0], [0], [0, 0, 1, 0], [], []>, transpose_lhs_hint = false} : vector<80x128xf32>, vector<2048x128xf32>, vector<80x2048xf32> -> vector<80x2048xf32>
    %mul3A_548 = vector.broadcast %get3A_38 : f32 to vector<80x2048xf32>
    %mul3A_549 = arith.mulf %dot_general3A_547, %mul3A_548 : vector<80x2048xf32>
    %add3A_550 = vector.broadcast %get3A_40 : f32 to vector<80x2048xf32>
    %add3A_551 = arith.addf %mul3A_549, %add3A_550 : vector<80x2048xf32>
    %mul3A_552 = arith.constant 1.250000e-01 : f32
    %mul3A_553 = vector.broadcast %mul3A_552 : f32 to vector<80x2048xf32>
    %mul3A_554 = arith.mulf %add3A_551, %mul3A_553 : vector<80x2048xf32>
    %reduce_max3A_555 = arith.constant dense<0xFF800000> : vector<80xf32>
    %reduce_max3A_556 = vector.multi_reduction <maximumf>, %mul3A_554, %reduce_max3A_555 [1] : vector<80x2048xf32> to vector<80xf32>
    %broadcast_in_dim3A_557 = vector.shape_cast %reduce_max3A_556 : vector<80xf32> to vector<80x1xf32>
    %sub3A_558 = vector.broadcast %broadcast_in_dim3A_557 : vector<80x1xf32> to vector<80x2048xf32>
    %sub3A_559 = arith.subf %mul3A_554, %sub3A_558 : vector<80x2048xf32>
    %exp3A_560 = math.exp %sub3A_559 : vector<80x2048xf32>
    %reduce_sum3A_561 = arith.constant dense<0.000000e+00> : vector<80xf32>
    %reduce_sum3A_562 = vector.multi_reduction <add>, %exp3A_560, %reduce_sum3A_561 [1] : vector<80x2048xf32> to vector<80xf32>
    %broadcast_in_dim3A_563 = vector.shape_cast %reduce_sum3A_562 : vector<80xf32> to vector<80x1xf32>
    %div3A_564 = vector.broadcast %broadcast_in_dim3A_563 : vector<80x1xf32> to vector<80x2048xf32>
    %div3A_565 = arith.divf %exp3A_560, %div3A_564 : vector<80x2048xf32>
    %dot_general3A_566 = arith.constant dense<0.000000e+00> : vector<80x128xf32>
    %dot_general3A_567 = tpu.matmul %div3A_565, %slice3A_462, %dot_general3A_566 {dimension_numbers = #tpu.dot_dimension_numbers<[1], [0], [0], [1], [0, 0, 1, 1], [], []>, transpose_lhs_hint = false} : vector<80x2048xf32>, vector<2048x128xf32>, vector<80x128xf32> -> vector<80x128xf32>
    %dot_general3A_568 = arith.constant dense<0.000000e+00> : vector<80x128xf32>
    %dot_general3A_569 = tpu.matmul %convert_element_type3A_510, %slice3A_461, %dot_general3A_568 {dimension_numbers = #tpu.dot_dimension_numbers<[1], [0], [0], [1], [0, 0, 1, 1], [], []>, transpose_lhs_hint = false} : vector<80x2048xf32>, vector<2048x128xf32>, vector<80x128xf32> -> vector<80x128xf32>
    %sub3A_570 = arith.subf %dot_general3A_567, %dot_general3A_569 : vector<80x128xf32>
    %mul3A_571 = arith.mulf %sub3A_570, %convert_element_type3A_50 : vector<80x128xf32>
    %mul3A_572 = vector.broadcast %select_n3A_473 : vector<80x1xf32> to vector<80x128xf32>
    %mul3A_573 = arith.mulf %mul3A_571, %mul3A_572 : vector<80x128xf32>
    %reshape3A_574 = vector.shape_cast %concatenate3A_502 : vector<80x1xi32> to vector<1x80xi32>
    %eq3A_575 = vector.broadcast %concatenate3A_480 : vector<80x1xi32> to vector<80x80xi32>
    %eq3A_576 = vector.broadcast %reshape3A_574 : vector<1x80xi32> to vector<80x80xi32>
    %eq3A_577 = arith.cmpi eq, %eq3A_575, %eq3A_576 : vector<80x80xi32>
    %convert_element_type3A_578 = arith.extui %eq3A_577 : vector<80x80xi1> to vector<80x80xi32>
    %convert_element_type3A_579 = arith.sitofp %convert_element_type3A_578 : vector<80x80xi32> to vector<80x80xf32>
    %mul3A_580 = arith.mulf %convert_element_type3A_579, %convert_element_type3A_63 : vector<80x80xf32>
    %reduce_max3A_581 = arith.constant dense<0xFF800000> : vector<80xf32>
    %reduce_max3A_582 = vector.multi_reduction <maximumf>, %mul3A_580, %reduce_max3A_581 [1] : vector<80x80xf32> to vector<80xf32>
    %broadcast_in_dim3A_583 = vector.shape_cast %reduce_max3A_582 : vector<80xf32> to vector<80x1xf32>
    %sub3A_584 = arith.constant 1.000000e+00 : f32
    %sub3A_585 = vector.broadcast %sub3A_584 : f32 to vector<80x1xf32>
    %sub3A_586 = arith.subf %sub3A_585, %broadcast_in_dim3A_583 : vector<80x1xf32>
    %mul3A_587 = vector.broadcast %sub3A_586 : vector<80x1xf32> to vector<80x128xf32>
    %mul3A_588 = arith.mulf %mul3A_545, %mul3A_587 : vector<80x128xf32>
    %concatenate3A_589 = tpu.concatenate %convert_element_type3A_484, %convert_element_type3A_506 in 0 : vector<80x2048xf32>, vector<80x2048xf32> -> vector<160x2048xf32>
    %concatenate3A_590 = tpu.concatenate %mul3A_588, %mul3A_573 in 0 : vector<80x128xf32>, vector<80x128xf32> -> vector<160x128xf32>
    %dot_general3A_591 = arith.constant dense<0.000000e+00> : vector<2048x128xf32>
    %dot_general3A_592 = tpu.matmul %concatenate3A_589, %concatenate3A_590, %dot_general3A_591 {dimension_numbers = #tpu.dot_dimension_numbers<[0], [0], [1], [1], [0, 1, 1, 1], [], []>, transpose_lhs_hint = false} : vector<160x2048xf32>, vector<160x128xf32>, vector<2048x128xf32> -> vector<2048x128xf32>
    %slice3A_593 = vector.extract_strided_slice %dot_general3A_592 {offsets = [0, 0], sizes = [2048, 64], strides = [1, 1]} : vector<2048x128xf32> to vector<2048x64xf32>
    %add3A_594 = arith.addf %add3A_460, %slice3A_593 : vector<2048x64xf32>
    %slice3A_595 = vector.extract_strided_slice %dot_general3A_592 {offsets = [0, 64], sizes = [2048, 64], strides = [1, 1]} : vector<2048x128xf32> to vector<2048x64xf32>
    %add3A_596 = arith.addf %add3A_594, %slice3A_595 : vector<2048x64xf32>
    %slice3A_597 = vector.extract_strided_slice %get3A_4 {offsets = [0, 512], sizes = [2048, 128], strides = [1, 1]} : vector<2048x768xf32> to vector<2048x128xf32>
    %slice3A_598 = vector.extract_strided_slice %get3A_10 {offsets = [0, 512], sizes = [2048, 128], strides = [1, 1]} : vector<2048x768xf32> to vector<2048x128xf32>
    %slice3A_599 = vector.extract_strided_slice %iota3A_41 {offsets = [0, 0], sizes = [80, 1], strides = [1, 1]} : vector<80x128xi32> to vector<80x1xi32>
    %lt3A_600 = arith.constant 40 : i32
    %lt3A_601 = vector.broadcast %lt3A_600 : i32 to vector<80x1xi32>
    %lt3A_602 = arith.cmpi slt, %slice3A_599, %lt3A_601 : vector<80x1xi32>
    %get3A_603 = arith.constant 8 : index
    %get3A_604 = memref.load %arg8[%get3A_603] : memref<16xf32, #tpu.memory_space<smem>>
    %get3A_605 = arith.constant 9 : index
    %get3A_606 = memref.load %arg8[%get3A_605] : memref<16xf32, #tpu.memory_space<smem>>
    %broadcast_in_dim3A_607 = vector.broadcast %get3A_604 : f32 to vector<80x1xf32>
    %broadcast_in_dim3A_608 = vector.broadcast %get3A_606 : f32 to vector<80x1xf32>
    %select_n3A_609 = arith.select %lt3A_602, %broadcast_in_dim3A_607, %broadcast_in_dim3A_608 : vector<80x1xi1>, vector<80x1xf32>
    %slice3A_610 = vector.extract_strided_slice %get3A_16 {offsets = [8, 0], sizes = [1, 40], strides = [1, 1]} : vector<16x128xi32> to vector<1x40xi32>
    %squeeze3A_611 = vector.shape_cast %slice3A_610 : vector<1x40xi32> to vector<40xi32>
    %reshape3A_612 = vector.shape_cast %squeeze3A_611 : vector<40xi32> to vector<40x1xi32>
    %slice3A_613 = vector.extract_strided_slice %get3A_16 {offsets = [9, 0], sizes = [1, 40], strides = [1, 1]} : vector<16x128xi32> to vector<1x40xi32>
    %squeeze3A_614 = vector.shape_cast %slice3A_613 : vector<1x40xi32> to vector<40xi32>
    %reshape3A_615 = vector.shape_cast %squeeze3A_614 : vector<40xi32> to vector<40x1xi32>
    %concatenate3A_616 = tpu.concatenate %reshape3A_612, %reshape3A_615 in 0 : vector<40x1xi32>, vector<40x1xi32> -> vector<80x1xi32>
    %eq3A_617 = vector.broadcast %concatenate3A_616 : vector<80x1xi32> to vector<80x2048xi32>
    %eq3A_618 = arith.cmpi eq, %iota3A, %eq3A_617 : vector<80x2048xi32>
    %convert_element_type3A_619 = arith.extui %eq3A_618 : vector<80x2048xi1> to vector<80x2048xi32>
    %convert_element_type3A_620 = arith.sitofp %convert_element_type3A_619 : vector<80x2048xi32> to vector<80x2048xf32>
    %le3A_621 = vector.broadcast %concatenate3A_616 : vector<80x1xi32> to vector<80x2048xi32>
    %le3A_622 = arith.cmpi sle, %iota3A, %le3A_621 : vector<80x2048xi32>
    %convert_element_type3A_623 = arith.extui %le3A_622 : vector<80x2048xi1> to vector<80x2048xi32>
    %convert_element_type3A_624 = arith.sitofp %convert_element_type3A_623 : vector<80x2048xi32> to vector<80x2048xf32>
    %slice3A_625 = vector.extract_strided_slice %get3A_29 {offsets = [8, 0, 0], sizes = [1, 40, 64], strides = [1, 1, 1]} : vector<12x40x64xf32> to vector<1x40x64xf32>
    %squeeze3A_626 = vector.shape_cast %slice3A_625 : vector<1x40x64xf32> to vector<40x64xf32>
    %concatenate3A_627 = tpu.concatenate %squeeze3A_626, %broadcast_in_dim3A_64 in 1 : vector<40x64xf32>, vector<40x64xf32> -> vector<40x128xf32>
    %slice3A_628 = vector.extract_strided_slice %get3A_29 {offsets = [9, 0, 0], sizes = [1, 40, 64], strides = [1, 1, 1]} : vector<12x40x64xf32> to vector<1x40x64xf32>
    %squeeze3A_629 = vector.shape_cast %slice3A_628 : vector<1x40x64xf32> to vector<40x64xf32>
    %concatenate3A_630 = tpu.concatenate %broadcast_in_dim3A_64, %squeeze3A_629 in 1 : vector<40x64xf32>, vector<40x64xf32> -> vector<40x128xf32>
    %concatenate3A_631 = tpu.concatenate %concatenate3A_627, %concatenate3A_630 in 0 : vector<40x128xf32>, vector<40x128xf32> -> vector<80x128xf32>
    %slice3A_632 = vector.extract_strided_slice %get3A_22 {offsets = [8, 0], sizes = [1, 40], strides = [1, 1]} : vector<16x128xi32> to vector<1x40xi32>
    %squeeze3A_633 = vector.shape_cast %slice3A_632 : vector<1x40xi32> to vector<40xi32>
    %reshape3A_634 = vector.shape_cast %squeeze3A_633 : vector<40xi32> to vector<40x1xi32>
    %slice3A_635 = vector.extract_strided_slice %get3A_22 {offsets = [9, 0], sizes = [1, 40], strides = [1, 1]} : vector<16x128xi32> to vector<1x40xi32>
    %squeeze3A_636 = vector.shape_cast %slice3A_635 : vector<1x40xi32> to vector<40xi32>
    %reshape3A_637 = vector.shape_cast %squeeze3A_636 : vector<40xi32> to vector<40x1xi32>
    %concatenate3A_638 = tpu.concatenate %reshape3A_634, %reshape3A_637 in 0 : vector<40x1xi32>, vector<40x1xi32> -> vector<80x1xi32>
    %eq3A_639 = vector.broadcast %concatenate3A_638 : vector<80x1xi32> to vector<80x2048xi32>
    %eq3A_640 = arith.cmpi eq, %iota3A, %eq3A_639 : vector<80x2048xi32>
    %convert_element_type3A_641 = arith.extui %eq3A_640 : vector<80x2048xi1> to vector<80x2048xi32>
    %convert_element_type3A_642 = arith.sitofp %convert_element_type3A_641 : vector<80x2048xi32> to vector<80x2048xf32>
    %le3A_643 = vector.broadcast %concatenate3A_638 : vector<80x1xi32> to vector<80x2048xi32>
    %le3A_644 = arith.cmpi sle, %iota3A, %le3A_643 : vector<80x2048xi32>
    %convert_element_type3A_645 = arith.extui %le3A_644 : vector<80x2048xi1> to vector<80x2048xi32>
    %convert_element_type3A_646 = arith.sitofp %convert_element_type3A_645 : vector<80x2048xi32> to vector<80x2048xf32>
    %slice3A_647 = vector.extract_strided_slice %get3A_36 {offsets = [8, 0, 0], sizes = [1, 40, 64], strides = [1, 1, 1]} : vector<12x40x64xf32> to vector<1x40x64xf32>
    %squeeze3A_648 = vector.shape_cast %slice3A_647 : vector<1x40x64xf32> to vector<40x64xf32>
    %concatenate3A_649 = tpu.concatenate %squeeze3A_648, %broadcast_in_dim3A_64 in 1 : vector<40x64xf32>, vector<40x64xf32> -> vector<40x128xf32>
    %slice3A_650 = vector.extract_strided_slice %get3A_36 {offsets = [9, 0, 0], sizes = [1, 40, 64], strides = [1, 1, 1]} : vector<12x40x64xf32> to vector<1x40x64xf32>
    %squeeze3A_651 = vector.shape_cast %slice3A_650 : vector<1x40x64xf32> to vector<40x64xf32>
    %concatenate3A_652 = tpu.concatenate %broadcast_in_dim3A_64, %squeeze3A_651 in 1 : vector<40x64xf32>, vector<40x64xf32> -> vector<40x128xf32>
    %concatenate3A_653 = tpu.concatenate %concatenate3A_649, %concatenate3A_652 in 0 : vector<40x128xf32>, vector<40x128xf32> -> vector<80x128xf32>
    %dot_general3A_654 = arith.constant dense<0.000000e+00> : vector<80x2048xf32>
    %dot_general3A_655 = tpu.matmul %concatenate3A_631, %slice3A_597, %dot_general3A_654 {dimension_numbers = #tpu.dot_dimension_numbers<[1], [1], [0], [0], [0, 0, 1, 0], [], []>, transpose_lhs_hint = false} : vector<80x128xf32>, vector<2048x128xf32>, vector<80x2048xf32> -> vector<80x2048xf32>
    %mul3A_656 = vector.broadcast %get3A_38 : f32 to vector<80x2048xf32>
    %mul3A_657 = arith.mulf %dot_general3A_655, %mul3A_656 : vector<80x2048xf32>
    %add3A_658 = vector.broadcast %get3A_40 : f32 to vector<80x2048xf32>
    %add3A_659 = arith.addf %mul3A_657, %add3A_658 : vector<80x2048xf32>
    %mul3A_660 = arith.constant 1.250000e-01 : f32
    %mul3A_661 = vector.broadcast %mul3A_660 : f32 to vector<80x2048xf32>
    %mul3A_662 = arith.mulf %add3A_659, %mul3A_661 : vector<80x2048xf32>
    %reduce_max3A_663 = arith.constant dense<0xFF800000> : vector<80xf32>
    %reduce_max3A_664 = vector.multi_reduction <maximumf>, %mul3A_662, %reduce_max3A_663 [1] : vector<80x2048xf32> to vector<80xf32>
    %broadcast_in_dim3A_665 = vector.shape_cast %reduce_max3A_664 : vector<80xf32> to vector<80x1xf32>
    %sub3A_666 = vector.broadcast %broadcast_in_dim3A_665 : vector<80x1xf32> to vector<80x2048xf32>
    %sub3A_667 = arith.subf %mul3A_662, %sub3A_666 : vector<80x2048xf32>
    %exp3A_668 = math.exp %sub3A_667 : vector<80x2048xf32>
    %reduce_sum3A_669 = arith.constant dense<0.000000e+00> : vector<80xf32>
    %reduce_sum3A_670 = vector.multi_reduction <add>, %exp3A_668, %reduce_sum3A_669 [1] : vector<80x2048xf32> to vector<80xf32>
    %broadcast_in_dim3A_671 = vector.shape_cast %reduce_sum3A_670 : vector<80xf32> to vector<80x1xf32>
    %div3A_672 = vector.broadcast %broadcast_in_dim3A_671 : vector<80x1xf32> to vector<80x2048xf32>
    %div3A_673 = arith.divf %exp3A_668, %div3A_672 : vector<80x2048xf32>
    %dot_general3A_674 = arith.constant dense<0.000000e+00> : vector<80x128xf32>
    %dot_general3A_675 = tpu.matmul %div3A_673, %slice3A_597, %dot_general3A_674 {dimension_numbers = #tpu.dot_dimension_numbers<[1], [0], [0], [1], [0, 0, 1, 1], [], []>, transpose_lhs_hint = false} : vector<80x2048xf32>, vector<2048x128xf32>, vector<80x128xf32> -> vector<80x128xf32>
    %dot_general3A_676 = arith.constant dense<0.000000e+00> : vector<80x128xf32>
    %dot_general3A_677 = tpu.matmul %convert_element_type3A_624, %slice3A_597, %dot_general3A_676 {dimension_numbers = #tpu.dot_dimension_numbers<[1], [0], [0], [1], [0, 0, 1, 1], [], []>, transpose_lhs_hint = false} : vector<80x2048xf32>, vector<2048x128xf32>, vector<80x128xf32> -> vector<80x128xf32>
    %sub3A_678 = arith.subf %dot_general3A_675, %dot_general3A_677 : vector<80x128xf32>
    %mul3A_679 = arith.mulf %sub3A_678, %convert_element_type3A_50 : vector<80x128xf32>
    %mul3A_680 = vector.broadcast %select_n3A_609 : vector<80x1xf32> to vector<80x128xf32>
    %mul3A_681 = arith.mulf %mul3A_679, %mul3A_680 : vector<80x128xf32>
    %dot_general3A_682 = arith.constant dense<0.000000e+00> : vector<80x2048xf32>
    %dot_general3A_683 = tpu.matmul %concatenate3A_653, %slice3A_598, %dot_general3A_682 {dimension_numbers = #tpu.dot_dimension_numbers<[1], [1], [0], [0], [0, 0, 1, 0], [], []>, transpose_lhs_hint = false} : vector<80x128xf32>, vector<2048x128xf32>, vector<80x2048xf32> -> vector<80x2048xf32>
    %mul3A_684 = vector.broadcast %get3A_38 : f32 to vector<80x2048xf32>
    %mul3A_685 = arith.mulf %dot_general3A_683, %mul3A_684 : vector<80x2048xf32>
    %add3A_686 = vector.broadcast %get3A_40 : f32 to vector<80x2048xf32>
    %add3A_687 = arith.addf %mul3A_685, %add3A_686 : vector<80x2048xf32>
    %mul3A_688 = arith.constant 1.250000e-01 : f32
    %mul3A_689 = vector.broadcast %mul3A_688 : f32 to vector<80x2048xf32>
    %mul3A_690 = arith.mulf %add3A_687, %mul3A_689 : vector<80x2048xf32>
    %reduce_max3A_691 = arith.constant dense<0xFF800000> : vector<80xf32>
    %reduce_max3A_692 = vector.multi_reduction <maximumf>, %mul3A_690, %reduce_max3A_691 [1] : vector<80x2048xf32> to vector<80xf32>
    %broadcast_in_dim3A_693 = vector.shape_cast %reduce_max3A_692 : vector<80xf32> to vector<80x1xf32>
    %sub3A_694 = vector.broadcast %broadcast_in_dim3A_693 : vector<80x1xf32> to vector<80x2048xf32>
    %sub3A_695 = arith.subf %mul3A_690, %sub3A_694 : vector<80x2048xf32>
    %exp3A_696 = math.exp %sub3A_695 : vector<80x2048xf32>
    %reduce_sum3A_697 = arith.constant dense<0.000000e+00> : vector<80xf32>
    %reduce_sum3A_698 = vector.multi_reduction <add>, %exp3A_696, %reduce_sum3A_697 [1] : vector<80x2048xf32> to vector<80xf32>
    %broadcast_in_dim3A_699 = vector.shape_cast %reduce_sum3A_698 : vector<80xf32> to vector<80x1xf32>
    %div3A_700 = vector.broadcast %broadcast_in_dim3A_699 : vector<80x1xf32> to vector<80x2048xf32>
    %div3A_701 = arith.divf %exp3A_696, %div3A_700 : vector<80x2048xf32>
    %dot_general3A_702 = arith.constant dense<0.000000e+00> : vector<80x128xf32>
    %dot_general3A_703 = tpu.matmul %div3A_701, %slice3A_598, %dot_general3A_702 {dimension_numbers = #tpu.dot_dimension_numbers<[1], [0], [0], [1], [0, 0, 1, 1], [], []>, transpose_lhs_hint = false} : vector<80x2048xf32>, vector<2048x128xf32>, vector<80x128xf32> -> vector<80x128xf32>
    %dot_general3A_704 = arith.constant dense<0.000000e+00> : vector<80x128xf32>
    %dot_general3A_705 = tpu.matmul %convert_element_type3A_646, %slice3A_597, %dot_general3A_704 {dimension_numbers = #tpu.dot_dimension_numbers<[1], [0], [0], [1], [0, 0, 1, 1], [], []>, transpose_lhs_hint = false} : vector<80x2048xf32>, vector<2048x128xf32>, vector<80x128xf32> -> vector<80x128xf32>
    %sub3A_706 = arith.subf %dot_general3A_703, %dot_general3A_705 : vector<80x128xf32>
    %mul3A_707 = arith.mulf %sub3A_706, %convert_element_type3A_50 : vector<80x128xf32>
    %mul3A_708 = vector.broadcast %select_n3A_609 : vector<80x1xf32> to vector<80x128xf32>
    %mul3A_709 = arith.mulf %mul3A_707, %mul3A_708 : vector<80x128xf32>
    %reshape3A_710 = vector.shape_cast %concatenate3A_638 : vector<80x1xi32> to vector<1x80xi32>
    %eq3A_711 = vector.broadcast %concatenate3A_616 : vector<80x1xi32> to vector<80x80xi32>
    %eq3A_712 = vector.broadcast %reshape3A_710 : vector<1x80xi32> to vector<80x80xi32>
    %eq3A_713 = arith.cmpi eq, %eq3A_711, %eq3A_712 : vector<80x80xi32>
    %convert_element_type3A_714 = arith.extui %eq3A_713 : vector<80x80xi1> to vector<80x80xi32>
    %convert_element_type3A_715 = arith.sitofp %convert_element_type3A_714 : vector<80x80xi32> to vector<80x80xf32>
    %mul3A_716 = arith.mulf %convert_element_type3A_715, %convert_element_type3A_63 : vector<80x80xf32>
    %reduce_max3A_717 = arith.constant dense<0xFF800000> : vector<80xf32>
    %reduce_max3A_718 = vector.multi_reduction <maximumf>, %mul3A_716, %reduce_max3A_717 [1] : vector<80x80xf32> to vector<80xf32>
    %broadcast_in_dim3A_719 = vector.shape_cast %reduce_max3A_718 : vector<80xf32> to vector<80x1xf32>
    %sub3A_720 = arith.constant 1.000000e+00 : f32
    %sub3A_721 = vector.broadcast %sub3A_720 : f32 to vector<80x1xf32>
    %sub3A_722 = arith.subf %sub3A_721, %broadcast_in_dim3A_719 : vector<80x1xf32>
    %mul3A_723 = vector.broadcast %sub3A_722 : vector<80x1xf32> to vector<80x128xf32>
    %mul3A_724 = arith.mulf %mul3A_681, %mul3A_723 : vector<80x128xf32>
    %concatenate3A_725 = tpu.concatenate %convert_element_type3A_620, %convert_element_type3A_642 in 0 : vector<80x2048xf32>, vector<80x2048xf32> -> vector<160x2048xf32>
    %concatenate3A_726 = tpu.concatenate %mul3A_724, %mul3A_709 in 0 : vector<80x128xf32>, vector<80x128xf32> -> vector<160x128xf32>
    %dot_general3A_727 = arith.constant dense<0.000000e+00> : vector<2048x128xf32>
    %dot_general3A_728 = tpu.matmul %concatenate3A_725, %concatenate3A_726, %dot_general3A_727 {dimension_numbers = #tpu.dot_dimension_numbers<[0], [0], [1], [1], [0, 1, 1, 1], [], []>, transpose_lhs_hint = false} : vector<160x2048xf32>, vector<160x128xf32>, vector<2048x128xf32> -> vector<2048x128xf32>
    %slice3A_729 = vector.extract_strided_slice %dot_general3A_728 {offsets = [0, 0], sizes = [2048, 64], strides = [1, 1]} : vector<2048x128xf32> to vector<2048x64xf32>
    %add3A_730 = arith.addf %add3A_596, %slice3A_729 : vector<2048x64xf32>
    %slice3A_731 = vector.extract_strided_slice %dot_general3A_728 {offsets = [0, 64], sizes = [2048, 64], strides = [1, 1]} : vector<2048x128xf32> to vector<2048x64xf32>
    %add3A_732 = arith.addf %add3A_730, %slice3A_731 : vector<2048x64xf32>
    %slice3A_733 = vector.extract_strided_slice %get3A_4 {offsets = [0, 640], sizes = [2048, 128], strides = [1, 1]} : vector<2048x768xf32> to vector<2048x128xf32>
    %slice3A_734 = vector.extract_strided_slice %get3A_10 {offsets = [0, 640], sizes = [2048, 128], strides = [1, 1]} : vector<2048x768xf32> to vector<2048x128xf32>
    %slice3A_735 = vector.extract_strided_slice %iota3A_41 {offsets = [0, 0], sizes = [80, 1], strides = [1, 1]} : vector<80x128xi32> to vector<80x1xi32>
    %lt3A_736 = arith.constant 40 : i32
    %lt3A_737 = vector.broadcast %lt3A_736 : i32 to vector<80x1xi32>
    %lt3A_738 = arith.cmpi slt, %slice3A_735, %lt3A_737 : vector<80x1xi32>
    %get3A_739 = arith.constant 10 : index
    %get3A_740 = memref.load %arg8[%get3A_739] : memref<16xf32, #tpu.memory_space<smem>>
    %get3A_741 = arith.constant 11 : index
    %get3A_742 = memref.load %arg8[%get3A_741] : memref<16xf32, #tpu.memory_space<smem>>
    %broadcast_in_dim3A_743 = vector.broadcast %get3A_740 : f32 to vector<80x1xf32>
    %broadcast_in_dim3A_744 = vector.broadcast %get3A_742 : f32 to vector<80x1xf32>
    %select_n3A_745 = arith.select %lt3A_738, %broadcast_in_dim3A_743, %broadcast_in_dim3A_744 : vector<80x1xi1>, vector<80x1xf32>
    %slice3A_746 = vector.extract_strided_slice %get3A_16 {offsets = [10, 0], sizes = [1, 40], strides = [1, 1]} : vector<16x128xi32> to vector<1x40xi32>
    %squeeze3A_747 = vector.shape_cast %slice3A_746 : vector<1x40xi32> to vector<40xi32>
    %reshape3A_748 = vector.shape_cast %squeeze3A_747 : vector<40xi32> to vector<40x1xi32>
    %slice3A_749 = vector.extract_strided_slice %get3A_16 {offsets = [11, 0], sizes = [1, 40], strides = [1, 1]} : vector<16x128xi32> to vector<1x40xi32>
    %squeeze3A_750 = vector.shape_cast %slice3A_749 : vector<1x40xi32> to vector<40xi32>
    %reshape3A_751 = vector.shape_cast %squeeze3A_750 : vector<40xi32> to vector<40x1xi32>
    %concatenate3A_752 = tpu.concatenate %reshape3A_748, %reshape3A_751 in 0 : vector<40x1xi32>, vector<40x1xi32> -> vector<80x1xi32>
    %eq3A_753 = vector.broadcast %concatenate3A_752 : vector<80x1xi32> to vector<80x2048xi32>
    %eq3A_754 = arith.cmpi eq, %iota3A, %eq3A_753 : vector<80x2048xi32>
    %convert_element_type3A_755 = arith.extui %eq3A_754 : vector<80x2048xi1> to vector<80x2048xi32>
    %convert_element_type3A_756 = arith.sitofp %convert_element_type3A_755 : vector<80x2048xi32> to vector<80x2048xf32>
    %le3A_757 = vector.broadcast %concatenate3A_752 : vector<80x1xi32> to vector<80x2048xi32>
    %le3A_758 = arith.cmpi sle, %iota3A, %le3A_757 : vector<80x2048xi32>
    %convert_element_type3A_759 = arith.extui %le3A_758 : vector<80x2048xi1> to vector<80x2048xi32>
    %convert_element_type3A_760 = arith.sitofp %convert_element_type3A_759 : vector<80x2048xi32> to vector<80x2048xf32>
    %slice3A_761 = vector.extract_strided_slice %get3A_29 {offsets = [10, 0, 0], sizes = [1, 40, 64], strides = [1, 1, 1]} : vector<12x40x64xf32> to vector<1x40x64xf32>
    %squeeze3A_762 = vector.shape_cast %slice3A_761 : vector<1x40x64xf32> to vector<40x64xf32>
    %concatenate3A_763 = tpu.concatenate %squeeze3A_762, %broadcast_in_dim3A_64 in 1 : vector<40x64xf32>, vector<40x64xf32> -> vector<40x128xf32>
    %slice3A_764 = vector.extract_strided_slice %get3A_29 {offsets = [11, 0, 0], sizes = [1, 40, 64], strides = [1, 1, 1]} : vector<12x40x64xf32> to vector<1x40x64xf32>
    %squeeze3A_765 = vector.shape_cast %slice3A_764 : vector<1x40x64xf32> to vector<40x64xf32>
    %concatenate3A_766 = tpu.concatenate %broadcast_in_dim3A_64, %squeeze3A_765 in 1 : vector<40x64xf32>, vector<40x64xf32> -> vector<40x128xf32>
    %concatenate3A_767 = tpu.concatenate %concatenate3A_763, %concatenate3A_766 in 0 : vector<40x128xf32>, vector<40x128xf32> -> vector<80x128xf32>
    %slice3A_768 = vector.extract_strided_slice %get3A_22 {offsets = [10, 0], sizes = [1, 40], strides = [1, 1]} : vector<16x128xi32> to vector<1x40xi32>
    %squeeze3A_769 = vector.shape_cast %slice3A_768 : vector<1x40xi32> to vector<40xi32>
    %reshape3A_770 = vector.shape_cast %squeeze3A_769 : vector<40xi32> to vector<40x1xi32>
    %slice3A_771 = vector.extract_strided_slice %get3A_22 {offsets = [11, 0], sizes = [1, 40], strides = [1, 1]} : vector<16x128xi32> to vector<1x40xi32>
    %squeeze3A_772 = vector.shape_cast %slice3A_771 : vector<1x40xi32> to vector<40xi32>
    %reshape3A_773 = vector.shape_cast %squeeze3A_772 : vector<40xi32> to vector<40x1xi32>
    %concatenate3A_774 = tpu.concatenate %reshape3A_770, %reshape3A_773 in 0 : vector<40x1xi32>, vector<40x1xi32> -> vector<80x1xi32>
    %eq3A_775 = vector.broadcast %concatenate3A_774 : vector<80x1xi32> to vector<80x2048xi32>
    %eq3A_776 = arith.cmpi eq, %iota3A, %eq3A_775 : vector<80x2048xi32>
    %convert_element_type3A_777 = arith.extui %eq3A_776 : vector<80x2048xi1> to vector<80x2048xi32>
    %convert_element_type3A_778 = arith.sitofp %convert_element_type3A_777 : vector<80x2048xi32> to vector<80x2048xf32>
    %le3A_779 = vector.broadcast %concatenate3A_774 : vector<80x1xi32> to vector<80x2048xi32>
    %le3A_780 = arith.cmpi sle, %iota3A, %le3A_779 : vector<80x2048xi32>
    %convert_element_type3A_781 = arith.extui %le3A_780 : vector<80x2048xi1> to vector<80x2048xi32>
    %convert_element_type3A_782 = arith.sitofp %convert_element_type3A_781 : vector<80x2048xi32> to vector<80x2048xf32>
    %slice3A_783 = vector.extract_strided_slice %get3A_36 {offsets = [10, 0, 0], sizes = [1, 40, 64], strides = [1, 1, 1]} : vector<12x40x64xf32> to vector<1x40x64xf32>
    %squeeze3A_784 = vector.shape_cast %slice3A_783 : vector<1x40x64xf32> to vector<40x64xf32>
    %concatenate3A_785 = tpu.concatenate %squeeze3A_784, %broadcast_in_dim3A_64 in 1 : vector<40x64xf32>, vector<40x64xf32> -> vector<40x128xf32>
    %slice3A_786 = vector.extract_strided_slice %get3A_36 {offsets = [11, 0, 0], sizes = [1, 40, 64], strides = [1, 1, 1]} : vector<12x40x64xf32> to vector<1x40x64xf32>
    %squeeze3A_787 = vector.shape_cast %slice3A_786 : vector<1x40x64xf32> to vector<40x64xf32>
    %concatenate3A_788 = tpu.concatenate %broadcast_in_dim3A_64, %squeeze3A_787 in 1 : vector<40x64xf32>, vector<40x64xf32> -> vector<40x128xf32>
    %concatenate3A_789 = tpu.concatenate %concatenate3A_785, %concatenate3A_788 in 0 : vector<40x128xf32>, vector<40x128xf32> -> vector<80x128xf32>
    %dot_general3A_790 = arith.constant dense<0.000000e+00> : vector<80x2048xf32>
    %dot_general3A_791 = tpu.matmul %concatenate3A_767, %slice3A_733, %dot_general3A_790 {dimension_numbers = #tpu.dot_dimension_numbers<[1], [1], [0], [0], [0, 0, 1, 0], [], []>, transpose_lhs_hint = false} : vector<80x128xf32>, vector<2048x128xf32>, vector<80x2048xf32> -> vector<80x2048xf32>
    %mul3A_792 = vector.broadcast %get3A_38 : f32 to vector<80x2048xf32>
    %mul3A_793 = arith.mulf %dot_general3A_791, %mul3A_792 : vector<80x2048xf32>
    %add3A_794 = vector.broadcast %get3A_40 : f32 to vector<80x2048xf32>
    %add3A_795 = arith.addf %mul3A_793, %add3A_794 : vector<80x2048xf32>
    %mul3A_796 = arith.constant 1.250000e-01 : f32
    %mul3A_797 = vector.broadcast %mul3A_796 : f32 to vector<80x2048xf32>
    %mul3A_798 = arith.mulf %add3A_795, %mul3A_797 : vector<80x2048xf32>
    %reduce_max3A_799 = arith.constant dense<0xFF800000> : vector<80xf32>
    %reduce_max3A_800 = vector.multi_reduction <maximumf>, %mul3A_798, %reduce_max3A_799 [1] : vector<80x2048xf32> to vector<80xf32>
    %broadcast_in_dim3A_801 = vector.shape_cast %reduce_max3A_800 : vector<80xf32> to vector<80x1xf32>
    %sub3A_802 = vector.broadcast %broadcast_in_dim3A_801 : vector<80x1xf32> to vector<80x2048xf32>
    %sub3A_803 = arith.subf %mul3A_798, %sub3A_802 : vector<80x2048xf32>
    %exp3A_804 = math.exp %sub3A_803 : vector<80x2048xf32>
    %reduce_sum3A_805 = arith.constant dense<0.000000e+00> : vector<80xf32>
    %reduce_sum3A_806 = vector.multi_reduction <add>, %exp3A_804, %reduce_sum3A_805 [1] : vector<80x2048xf32> to vector<80xf32>
    %broadcast_in_dim3A_807 = vector.shape_cast %reduce_sum3A_806 : vector<80xf32> to vector<80x1xf32>
    %div3A_808 = vector.broadcast %broadcast_in_dim3A_807 : vector<80x1xf32> to vector<80x2048xf32>
    %div3A_809 = arith.divf %exp3A_804, %div3A_808 : vector<80x2048xf32>
    %dot_general3A_810 = arith.constant dense<0.000000e+00> : vector<80x128xf32>
    %dot_general3A_811 = tpu.matmul %div3A_809, %slice3A_733, %dot_general3A_810 {dimension_numbers = #tpu.dot_dimension_numbers<[1], [0], [0], [1], [0, 0, 1, 1], [], []>, transpose_lhs_hint = false} : vector<80x2048xf32>, vector<2048x128xf32>, vector<80x128xf32> -> vector<80x128xf32>
    %dot_general3A_812 = arith.constant dense<0.000000e+00> : vector<80x128xf32>
    %dot_general3A_813 = tpu.matmul %convert_element_type3A_760, %slice3A_733, %dot_general3A_812 {dimension_numbers = #tpu.dot_dimension_numbers<[1], [0], [0], [1], [0, 0, 1, 1], [], []>, transpose_lhs_hint = false} : vector<80x2048xf32>, vector<2048x128xf32>, vector<80x128xf32> -> vector<80x128xf32>
    %sub3A_814 = arith.subf %dot_general3A_811, %dot_general3A_813 : vector<80x128xf32>
    %mul3A_815 = arith.mulf %sub3A_814, %convert_element_type3A_50 : vector<80x128xf32>
    %mul3A_816 = vector.broadcast %select_n3A_745 : vector<80x1xf32> to vector<80x128xf32>
    %mul3A_817 = arith.mulf %mul3A_815, %mul3A_816 : vector<80x128xf32>
    %dot_general3A_818 = arith.constant dense<0.000000e+00> : vector<80x2048xf32>
    %dot_general3A_819 = tpu.matmul %concatenate3A_789, %slice3A_734, %dot_general3A_818 {dimension_numbers = #tpu.dot_dimension_numbers<[1], [1], [0], [0], [0, 0, 1, 0], [], []>, transpose_lhs_hint = false} : vector<80x128xf32>, vector<2048x128xf32>, vector<80x2048xf32> -> vector<80x2048xf32>
    %mul3A_820 = vector.broadcast %get3A_38 : f32 to vector<80x2048xf32>
    %mul3A_821 = arith.mulf %dot_general3A_819, %mul3A_820 : vector<80x2048xf32>
    %add3A_822 = vector.broadcast %get3A_40 : f32 to vector<80x2048xf32>
    %add3A_823 = arith.addf %mul3A_821, %add3A_822 : vector<80x2048xf32>
    %mul3A_824 = arith.constant 1.250000e-01 : f32
    %mul3A_825 = vector.broadcast %mul3A_824 : f32 to vector<80x2048xf32>
    %mul3A_826 = arith.mulf %add3A_823, %mul3A_825 : vector<80x2048xf32>
    %reduce_max3A_827 = arith.constant dense<0xFF800000> : vector<80xf32>
    %reduce_max3A_828 = vector.multi_reduction <maximumf>, %mul3A_826, %reduce_max3A_827 [1] : vector<80x2048xf32> to vector<80xf32>
    %broadcast_in_dim3A_829 = vector.shape_cast %reduce_max3A_828 : vector<80xf32> to vector<80x1xf32>
    %sub3A_830 = vector.broadcast %broadcast_in_dim3A_829 : vector<80x1xf32> to vector<80x2048xf32>
    %sub3A_831 = arith.subf %mul3A_826, %sub3A_830 : vector<80x2048xf32>
    %exp3A_832 = math.exp %sub3A_831 : vector<80x2048xf32>
    %reduce_sum3A_833 = arith.constant dense<0.000000e+00> : vector<80xf32>
    %reduce_sum3A_834 = vector.multi_reduction <add>, %exp3A_832, %reduce_sum3A_833 [1] : vector<80x2048xf32> to vector<80xf32>
    %broadcast_in_dim3A_835 = vector.shape_cast %reduce_sum3A_834 : vector<80xf32> to vector<80x1xf32>
    %div3A_836 = vector.broadcast %broadcast_in_dim3A_835 : vector<80x1xf32> to vector<80x2048xf32>
    %div3A_837 = arith.divf %exp3A_832, %div3A_836 : vector<80x2048xf32>
    %dot_general3A_838 = arith.constant dense<0.000000e+00> : vector<80x128xf32>
    %dot_general3A_839 = tpu.matmul %div3A_837, %slice3A_734, %dot_general3A_838 {dimension_numbers = #tpu.dot_dimension_numbers<[1], [0], [0], [1], [0, 0, 1, 1], [], []>, transpose_lhs_hint = false} : vector<80x2048xf32>, vector<2048x128xf32>, vector<80x128xf32> -> vector<80x128xf32>
    %dot_general3A_840 = arith.constant dense<0.000000e+00> : vector<80x128xf32>
    %dot_general3A_841 = tpu.matmul %convert_element_type3A_782, %slice3A_733, %dot_general3A_840 {dimension_numbers = #tpu.dot_dimension_numbers<[1], [0], [0], [1], [0, 0, 1, 1], [], []>, transpose_lhs_hint = false} : vector<80x2048xf32>, vector<2048x128xf32>, vector<80x128xf32> -> vector<80x128xf32>
    %sub3A_842 = arith.subf %dot_general3A_839, %dot_general3A_841 : vector<80x128xf32>
    %mul3A_843 = arith.mulf %sub3A_842, %convert_element_type3A_50 : vector<80x128xf32>
    %mul3A_844 = vector.broadcast %select_n3A_745 : vector<80x1xf32> to vector<80x128xf32>
    %mul3A_845 = arith.mulf %mul3A_843, %mul3A_844 : vector<80x128xf32>
    %reshape3A_846 = vector.shape_cast %concatenate3A_774 : vector<80x1xi32> to vector<1x80xi32>
    %eq3A_847 = vector.broadcast %concatenate3A_752 : vector<80x1xi32> to vector<80x80xi32>
    %eq3A_848 = vector.broadcast %reshape3A_846 : vector<1x80xi32> to vector<80x80xi32>
    %eq3A_849 = arith.cmpi eq, %eq3A_847, %eq3A_848 : vector<80x80xi32>
    %convert_element_type3A_850 = arith.extui %eq3A_849 : vector<80x80xi1> to vector<80x80xi32>
    %convert_element_type3A_851 = arith.sitofp %convert_element_type3A_850 : vector<80x80xi32> to vector<80x80xf32>
    %mul3A_852 = arith.mulf %convert_element_type3A_851, %convert_element_type3A_63 : vector<80x80xf32>
    %reduce_max3A_853 = arith.constant dense<0xFF800000> : vector<80xf32>
    %reduce_max3A_854 = vector.multi_reduction <maximumf>, %mul3A_852, %reduce_max3A_853 [1] : vector<80x80xf32> to vector<80xf32>
    %broadcast_in_dim3A_855 = vector.shape_cast %reduce_max3A_854 : vector<80xf32> to vector<80x1xf32>
    %sub3A_856 = arith.constant 1.000000e+00 : f32
    %sub3A_857 = vector.broadcast %sub3A_856 : f32 to vector<80x1xf32>
    %sub3A_858 = arith.subf %sub3A_857, %broadcast_in_dim3A_855 : vector<80x1xf32>
    %mul3A_859 = vector.broadcast %sub3A_858 : vector<80x1xf32> to vector<80x128xf32>
    %mul3A_860 = arith.mulf %mul3A_817, %mul3A_859 : vector<80x128xf32>
    %concatenate3A_861 = tpu.concatenate %convert_element_type3A_756, %convert_element_type3A_778 in 0 : vector<80x2048xf32>, vector<80x2048xf32> -> vector<160x2048xf32>
    %concatenate3A_862 = tpu.concatenate %mul3A_860, %mul3A_845 in 0 : vector<80x128xf32>, vector<80x128xf32> -> vector<160x128xf32>
    %dot_general3A_863 = arith.constant dense<0.000000e+00> : vector<2048x128xf32>
    %dot_general3A_864 = tpu.matmul %concatenate3A_861, %concatenate3A_862, %dot_general3A_863 {dimension_numbers = #tpu.dot_dimension_numbers<[0], [0], [1], [1], [0, 1, 1, 1], [], []>, transpose_lhs_hint = false} : vector<160x2048xf32>, vector<160x128xf32>, vector<2048x128xf32> -> vector<2048x128xf32>
    %slice3A_865 = vector.extract_strided_slice %dot_general3A_864 {offsets = [0, 0], sizes = [2048, 64], strides = [1, 1]} : vector<2048x128xf32> to vector<2048x64xf32>
    %add3A_866 = arith.addf %add3A_732, %slice3A_865 : vector<2048x64xf32>
    %slice3A_867 = vector.extract_strided_slice %dot_general3A_864 {offsets = [0, 64], sizes = [2048, 64], strides = [1, 1]} : vector<2048x128xf32> to vector<2048x64xf32>
    %add3A_868 = arith.addf %add3A_866, %slice3A_867 : vector<2048x64xf32>
    %get3A_869 = arith.constant 0 : index
    %get3A_870 = arith.constant 0 : index
    %get3A_871 = arith.constant 0 : index
    %get3A_872 = arith.constant 0 : index
    %get3A_873 = vector.load %arg7[%get3A_869, %get3A_870, %get3A_871, %get3A_872] : memref<1x1x2048x64xf32, #tpu.memory_space<vmem>>, vector<1x1x2048x64xf32>
    %get3A_874 = vector.shape_cast %get3A_873 : vector<1x1x2048x64xf32> to vector<2048x64xf32>
    %add3A_875 = arith.addf %get3A_874, %add3A_868 : vector<2048x64xf32>
    %swap3A = arith.constant 0 : index
    %swap3A_876 = arith.constant 0 : index
    %swap3A_877 = arith.constant 0 : index
    %swap3A_878 = vector.load %arg10[%swap3A, %swap3A_876, %swap3A_877] : memref<1x2048x64xf32, #tpu.memory_space<vmem>>, vector<1x2048x64xf32>
    %swap3A_879 = vector.shape_cast %swap3A_878 : vector<1x2048x64xf32> to vector<2048x64xf32>
    %swap3A_880 = vector.shape_cast %add3A_875 : vector<2048x64xf32> to vector<1x2048x64xf32>
    tpu.vector_store %arg10[%swap3A, %swap3A_876, %swap3A_877], %swap3A_880 {strides = array<i32>} : memref<1x2048x64xf32, #tpu.memory_space<vmem>>, vector<1x2048x64xf32>,
    return
  }
  func.func @transform_0(%arg0: i32) -> (i32, i32, i32, i32) {
    %c0_i32 = arith.constant 0 : i32
    %c0_i32_0 = arith.constant 0 : i32
    %c0_i32_1 = arith.constant 0 : i32
    %c0_i32_2 = arith.constant 0 : i32
    return %c0_i32, %arg0, %c0_i32_0, %c0_i32_1 : i32, i32, i32, i32
  }
  func.func @transform_1(%arg0: i32) -> (i32, i32, i32, i32) {
    %c1_i32 = arith.constant 1 : i32
    %c0_i32 = arith.constant 0 : i32
    %c0_i32_0 = arith.constant 0 : i32
    %c0_i32_1 = arith.constant 0 : i32
    return %c1_i32, %arg0, %c0_i32, %c0_i32_0 : i32, i32, i32, i32
  }
  func.func @transform_2(%arg0: i32) -> (i32, i32, i32, i32, i32) {
    %c0_i32 = arith.constant 0 : i32
    %c0_i32_0 = arith.constant 0 : i32
    %c0_i32_1 = arith.constant 0 : i32
    %c0_i32_2 = arith.constant 0 : i32
    %c0_i32_3 = arith.constant 0 : i32
    return %c0_i32, %arg0, %c0_i32_0, %c0_i32_1, %c0_i32_2 : i32, i32, i32, i32, i32
  }
  func.func @transform_3(%arg0: i32) -> (i32, i32, i32, i32, i32) {
    %c1_i32 = arith.constant 1 : i32
    %c0_i32 = arith.constant 0 : i32
    %c0_i32_0 = arith.constant 0 : i32
    %c0_i32_1 = arith.constant 0 : i32
    %c0_i32_2 = arith.constant 0 : i32
    return %c1_i32, %arg0, %c0_i32, %c0_i32_0, %c0_i32_1 : i32, i32, i32, i32, i32
  }
  func.func @transform_4(%arg0: i32) -> (i32, i32, i32, i32) {
    %c0_i32 = arith.constant 0 : i32
    %c0_i32_0 = arith.constant 0 : i32
    %c0_i32_1 = arith.constant 0 : i32
    %c0_i32_2 = arith.constant 0 : i32
    return %c0_i32, %arg0, %c0_i32_0, %c0_i32_1 : i32, i32, i32, i32
  }
  func.func @transform_5(%arg0: i32) -> (i32, i32, i32, i32) {
    %c1_i32 = arith.constant 1 : i32
    %c0_i32 = arith.constant 0 : i32
    %c0_i32_0 = arith.constant 0 : i32
    %c0_i32_1 = arith.constant 0 : i32
    return %c1_i32, %arg0, %c0_i32, %c0_i32_0 : i32, i32, i32, i32
  }
  func.func @transform_6(%arg0: i32) -> (i32, i32, i32, i32) {
    %c0_i32 = arith.constant 0 : i32
    %c0_i32_0 = arith.constant 0 : i32
    %c0_i32_1 = arith.constant 0 : i32
    %c0_i32_2 = arith.constant 0 : i32
    return %c0_i32, %arg0, %c0_i32_0, %c0_i32_1 : i32, i32, i32, i32
  }
  func.func @transform_7(%arg0: i32) -> i32 {
    %c0_i32 = arith.constant 0 : i32
    %c0_i32_0 = arith.constant 0 : i32
    return %c0_i32 : i32
  }
  func.func @transform_8(%arg0: i32) -> i32 {
    %c0_i32 = arith.constant 0 : i32
    %c0_i32_0 = arith.constant 0 : i32
    return %c0_i32 : i32
  }
  func.func @transform_9(%arg0: i32) -> (i32, i32, i32) {
    %c0_i32 = arith.constant 0 : i32
    %c0_i32_0 = arith.constant 0 : i32
    %c0_i32_1 = arith.constant 0 : i32
    return %arg0, %c0_i32, %c0_i32_0 : i32, i32, i32
  }
}

</mosaic_0001>

<sc_bundles>
// kernel: kernel.5.cloned.1.call-start
scs
__scs_entry_jumppad:
0x0: {  	(pc) =	sbr.rel $0x88, $3  }
0x1: {  	(tag) =	ssettag $0x0;
	lr =	simm.s32 $0x1  }
0x2: {  	[smem:$0x3F9A] =	sst lr;
	_ =	strace $0xD0000000  }
0x3: {  	_ = 	snop  }
0x4: {  	_ = 	snop  }
0x5: {  	_ = 	snop  }
0x6: {  	_ = 	snop  }
0x7: {  	_ = 	snop  }
__scs_overlays_trampoline_lowered:
0x8: {  	[smem:$0x3FA9] =	sst s0  }
0x9: {  	[smem:$0x3FAA] =	sst s1  }
0xa: {  	[smem:$0x3FAB] =	sst s2  }
0xb: {  	[smem:$0x3FAC] =	sst s3  }
0xc: {  	[smem:$0x3FAD] =	sst s4  }
0xd: {  	[smem:$0x3FAE] =	sst s5  }
0xe: {  	[smem:$0x3FAF] =	sst s6  }
0xf: {  	[smem:$0x3FB0] =	sst s7  }
0x10: {  	[smem:$0x3FB1] =	sst s8  }
0x11: {  	[smem:$0x3FB2] =	sst s9;
	s0 =	simm.s32 @!p0 $0x0  }
0x12: {  	s1 =	sld [smem:$0x3F98];
	s0 =	simm.s32 @p0 $0x1  }
0x13: {  	[smem:$0x3FB3] =	sst s0;
	s0 =	simm.s32 @!p1 $0x0  }
0x14: {  	s2 =	sld [smem:$0x3F97];
	s0 =	simm.s32 @p1 $0x1  }
0x15: {  	[smem:$0x3FB4] =	sst s0;
	s0 =	simm.s32 @!p2 $0x0  }
0x16: {  	s3 =	sld [smem:$0x3FDB];
	s0 =	simm.s32 @p2 $0x1  }
0x17: {  	s4 =	simm.s32 $0x1BF5;
	[smem:$0x3FB6] =	sst s0  }
0x18: {  	s0 =	sld [smem:$0x3F99];
	_ =	swait.ge [sflag:s4], $0x0  }
0x19: {  	s7 =	sld [smem:$0x3F9A]  }
0x1a: {  	s8 =	sadd.s32 $0xFFFFE003, lr  }
0x1b: {  	s9 =	sadd.s32 $0xFFFFFEF7, lr;
	s5 =	simm.s32 $0xFFFFFFFF;
	p2 =	slt.u32 s8, $0xFFFFF086  }
0x1c: {  	p1 =	slt.u32 s9, $0xF7A;
	s5 =	simm.s32 @!p2 $0x0  }
0x1d: {  	s5 =	simm.s32 @p1 $0x1;
	p0 =	seq.s32 s7, s2  }
0x1e: {  	s7 =	smul.u32 @!p0 $0xF7A, s2;
	p2 =	seq.s32 @!p0 s5, $0x0  }
0x1f: {  	s9 =	smul.u32 $0xF7A, s1;
	s8 =	simm.s32 @!p0 $0x1BF5;
	p2 =	por !p2, p0  }
0x20: {  	[sflag:s8] =	ssyncset.s32 @!p0 $0xFFFFF086;
	s6 =	sadd.s32 @!p0 s3, s7;
	s7 =	simm.s32 @!p0 $0x108  }
0x21: {  	s3 =	sadd.s32 s3, s9;
	s6 =	sadd.s32 @!p0 $0x88, s6;
	s7 =	simm.s32 @p2 $0x1082  }
0x22: {  	[simem:s7], [sflag:s8] =	dma.local @!p0 [hbm:s6], $0xF7A  }
0x23: {  	s9 =	sor.u32 $0xD0000000, s2;
	s6 =	simm.s32 $0x108;
	_ =	swait.ge @!p0 [sflag:s8], $0x0  }
0x24: {  	s3 =	sadd.s32 $0x88, s3;
	s6 =	simm.s32 @!p1 $0x1082;
	[sflag:s4] =	ssyncset.s32 $0xFFFFF086  }
0x25: {  	[simem:s6], [sflag:s4] =	dma.local [hbm:s3], $0xF7A  }
0x26: {  	[smem:$0x3F9A] =	sst s1;
	(tag) =	ssettag s2;
	_ =	strace s9  }
0x27: {  	s1 =	sld [smem:$0x3FAA]  }
0x28: {  	s2 =	sld [smem:$0x3FAB]  }
0x29: {  	s4 =	sld [smem:$0x3FAD]  }
0x2a: {  	p0 =	seq.s32 s5, $0x0;
	s5 =	sld [smem:$0x3FAE]  }
0x2b: {  	s6 =	sld [smem:$0x3FAF]  }
0x2c: {  	s7 =	sld [smem:$0x3FB0]  }
0x2d: {  	s3 =	simm.s32 $0x108;
	s8 =	sld [smem:$0x3FB1]  }
0x2e: {  	s3 =	simm.s32 @!p0 $0x1082;
	s9 =	sld [smem:$0x3FB2]  }
0x2f: {  	lr =	sadd.s32 s0, s3;
	s0 =	sld [smem:$0x3FA9]  }
0x30: {  	s3 =	sld [smem:$0x3FAC]  }
0x31: {  	[smem:$0x3FB5] =	sst s10  }
0x32: {  	s10 =	sld [smem:$0x3FB3];
	_ =	sdelay $0x3  }
0x33: {  	p0 =	seq.s32 s10, $0x1;
	s10 =	sld [smem:$0x3FB5];
	_ =	sdelay $0x3  }
0x34: {  	[smem:$0x3FB5] =	sst s10  }
0x35: {  	s10 =	sld [smem:$0x3FB4];
	_ =	sdelay $0x3  }
0x36: {  	p1 =	seq.s32 s10, $0x1;
	s10 =	sld [smem:$0x3FB5];
	_ =	sdelay $0x3  }
0x37: {  	[smem:$0x3FB5] =	sst s10  }
0x38: {  	s10 =	sld [smem:$0x3FB6]  }
0x39: {  	_ = 	snop;
	(pc) =	sbr.ind lr, $3  }
0x3a: {  	_ = 	snop  }
0x3b: {  	_ = 	snop  }
0x3c: {  	p2 =	seq.s32 s10, $0x1;
	s10 =	sld [smem:$0x3FB5]  }
0x3d: {  	_ =	shalt  }
0x3e: {  	_ =	shalt  }
0x3f: {  	_ =	shalt  }
0x40: {  	_ =	shalt  }
0x41: {  	_ =	shalt  }
0x42: {  	_ =	shalt  }
0x43: {  	_ =	shalt  }
0x44: {  	_ =	shalt  }
0x45: {  	_ =	shalt  }
0x46: {  	_ =	shalt  }
0x47: {  	_ =	shalt  }
0x48: {  	_ =	shalt  }
0x49: {  	_ =	shalt  }
0x4a: {  	_ =	shalt  }
0x4b: {  	_ =	shalt  }
0x4c: {  	_ =	shalt  }
0x4d: {  	_ =	shalt  }
0x4e: {  	_ =	shalt  }
0x4f: {  	_ =	shalt  }
0x50: {  	_ =	shalt  }
0x51: {  	_ =	shalt  }
0x52: {  	_ =	shalt  }
0x53: {  	_ =	shalt  }
0x54: {  	_ =	shalt  }
0x55: {  	_ =	shalt  }
0x56: {  	_ =	shalt  }
0x57: {  	_ =	shalt  }
0x58: {  	_ =	shalt  }
0x59: {  	_ =	shalt  }
0x5a: {  	_ =	shalt  }
0x5b: {  	_ =	shalt  }
0x5c: {  	_ =	shalt  }
0x5d: {  	_ =	shalt  }
0x5e: {  	_ =	shalt  }
0x5f: {  	_ =	shalt  }
0x60: {  	_ =	shalt  }
0x61: {  	_ =	shalt  }
0x62: {  	_ =	shalt  }
0x63: {  	_ =	shalt  }
0x64: {  	_ =	shalt  }
0x65: {  	_ =	shalt  }
0x66: {  	_ =	shalt  }
0x67: {  	_ =	shalt  }
0x68: {  	_ =	shalt  }
0x69: {  	_ =	shalt  }
0x6a: {  	_ =	shalt  }
0x6b: {  	_ =	shalt  }
0x6c: {  	_ =	shalt  }
0x6d: {  	_ =	shalt  }
0x6e: {  	_ =	shalt  }
0x6f: {  	_ =	shalt  }
0x70: {  	_ =	shalt  }
0x71: {  	_ =	shalt  }
0x72: {  	_ =	shalt  }
0x73: {  	_ =	shalt  }
0x74: {  	_ =	shalt  }
0x75: {  	_ =	shalt  }
0x76: {  	_ =	shalt  }
0x77: {  	_ =	shalt  }
0x78: {  	_ =	shalt  }
0x79: {  	_ =	shalt  }
0x7a: {  	_ =	shalt  }
0x7b: {  	_ =	shalt  }
0x7c: {  	_ =	shalt  }
0x7d: {  	_ =	shalt  }
0x7e: {  	_ =	shalt  }
0x7f: {  	_ =	shalt  }
0x80: {  	_ =	shalt  }
0x81: {  	_ =	shalt  }
0x82: {  	_ =	shalt  }
0x83: {  	_ =	shalt  }
0x84: {  	_ =	shalt  }
0x85: {  	_ =	shalt  }
0x86: {  	_ =	shalt  }
0x87: {  	_ =	shalt  }
.Lfunc_end0:
.L_simem_size_0:
called_computation_lowered:
.L_overlay_start_0:
0x88: {  	s2 =	sld [smem:$0x3FD9]  }
0x89: {  	s3 =	sld [smem:$0x3FFE];
	_ =	sdelay $0x1  }
0x8a: {  	s1 =	srdreg.scid  }
0x8b: {  	s0 =	sand.u32 $0x1, s1  }
0x8c: {  	s17 =	sshll.u32 s0, $0xA;
	s2 =	sadd.s32 s3, s2  }
0x8d: {  	s2 =	sadd.s32 s2, s17  }
0x8e: {  	[smem:$0x3FC1] =	sst s2  }
0x8f: {  	_ = 	snop  }
0x90: {  	s2 =	sld [smem:$0x3FD0];
	(tm) =	ssettm $0x1  }
0x91: {  	s18 =	sld [smem:$0x3FFB];
	_ =	sdelay $0x3  }
0x92: {  	_ =	strace s18  }
0x93: {  	s3 =	sld [smem:$0x3FFC];
	_ =	sdelay $0x3  }
0x94: {  	_ =	strace s3  }
0x95: {  	s3 =	sld [smem:$0x3FFD];
	_ =	sdelay $0x3  }
0x96: {  	_ =	strace s3  }
0x97: {  	_ =	strace $0x8FFFFFFF  }
0x98: {  	s19 =	sld [smem:$0x3FDB];
	_ =	sdelay $0x1  }
0x99: {  	s4 =	simm.s32 $_scs_section_size  }
0x9a: {  	s5 =	simm.s32 $_size__tile_overlayer_lowered;
	s6 =	simm.s32 $_tile_overlayer_lowered  }
0x9b: {  	s22 =	simm.s32 $0x1BFF;
	s21 =	sshll.u32 s6, $0x1;
	s3 =	sadd.s32 s4, s19  }
0x9c: {  	s7 =	simm.s32 $0x0;
	s20 =	sshll.u32 s5, $0x1;
	s5 =	sadd.s32 s21, s3  }
0x9d: {  	[timem:s7], [sflag:s22] =	dma.local [hbm:s5], s20  }
0x9e: {  	_ =	swait.ge [sflag:s22], s20  }
0x9f: {  	s4 =	ssub.s32 $0x0, s20;
	[sflag:s22] =	ssyncset.done $0x0  }
0xa0: {  	[sflag:s22] =	ssyncadd.s32 s4;
	_ =	sdelay $0x1  }
0xa1: {  	s23 =	simm.s32 $0x1B8B  }
0xa2: {  	_ =	swait.ge [sflag:s23], $0x1  }
0xa3: {  	[sflag:s23] =	ssyncset.done $0x0  }
0xa4: {  	s25 =	simm.s32 $0x1B8E;
	s24 =	sld [smem:$0x3FFE];
	[sflag:s23] =	ssyncadd.s32 $0xFFFFFFFF  }
0xa5: {  	s26 =	simm.s32 $execute0_lowered;
	[smem:$0x3FD2] =	sst s25  }
0xa6: {  	s5 =	sshll.u32 s26, $0x1;
	_ =	strace $0x80000046;
	[dreg:$0x1] =	wrdreg $0xFFFFFFFF  }
0xa7: {  	s28 =	simm.s32 $_size_execute0_lowered;
	s3 =	sadd.s32 s3, s5;
	[dreg:$0x0] =	wrdreg $0x0  }
0xa8: {  	s5 =	sshll.u32 s28, $0x1;
	[dreg:$0x2] =	wrdreg s3  }
0xa9: {  	[dreg:$0x3] =	wrdreg s5  }
0xaa: {  	[dreg:$0x4] =	wrdreg $0xC0  }
0xab: {  	_ =	task [dreg:s7], $0x5FFFF  }
0xac: {  	[dreg:$0x1] =	wrdreg $0xFFFFFFFF  }
0xad: {  	[dreg:$0x0] =	wrdreg $0x60  }
0xae: {  	[dreg:$0x2] =	wrdreg s24  }
0xaf: {  	[dreg:$0x3] =	wrdreg s2  }
0xb0: {  	[dreg:$0x4] =	wrdreg $0x9  }
0xb1: {  	_ =	task.clear_ibuf [dreg:s7], $0x5FFFF;
	_ =	strace $0x90000046  }
0xb2: {  	s29 =	simm.s32 $0x9;
	_ =	strace $0x80000048  }
0xb3: {  	_ =	swait.ge [sflag:s29], $0x1  }
0xb4: {  	[sflag:s29] =	ssyncadd.s32 $0xFFFFFFFF  }
0xb5: {  	_ =	strace $0x90000048  }
0xb6: {  	_ =	sfence  }
0xb7: {  	s30 =	sld [smem:$0x0];
	_ =	sdelay $0x2  }
0xb8: {  	s31 =	sshll.u32 s1, $0xD;
	s1 =	sshrl.u32 s1, $0x2  }
0xb9: {  	s3 =	sand.u32 $0x4000, s31;
	s1 =	sadd.s32 s1, s30  }
0xba: {  	s0 =	sor.u32 s3, s0;
	s1 =	sshll.u32 s1, $0x11  }
0xbb: {  	s0 =	sor.u32 s1, s0  }
0xbc: {  	s0 =	sadd.s32 $0x8F2B, s0  }
0xbd: {  	[sflag:s0] =	ssyncadd.remote.s32 $0x1  }
0xbe: {  	_ =	sfence.sel $0xFFFF  }
0xbf: {  	[dreg:$0x0] =	wrdreg $0xFFFFFFFF;
	(pc) =	sbr.abs _section_cstart, $3  }
0xc0: {  	[dreg:$0x1] =	wrdreg $0xFFFFFFFF  }
0xc1: {  	_ =	task.clear_ibuf [dreg:s7], $0x2FFFF;
	_ =	strace $0x9FFFFFFF  }
0xc2: {  	(tm) =	ssettm $0x7FFFFFFF  }
0xc3: {  	_ =	shalt  }
tec
execute0_lowered:
.L_overlay_start_1:
0x0: {  	(tag) =	ssettag $0x1  }
0x1: {  	s1 =	srdreg.scid;
	s0 =	stileid.u32  }
0x2: {  	s6 =	sand.u32 $0x1, s1;
	s30 =	sshll.u32 s0, $0x1  }
0x3: {  	s5 =	rddreg [dreg:$0x0];
	s8 =	sor.u32 s6, s30  }
0x4: {  	s9 =	rddreg [dreg:$0x1];
	s2 =	simm.s32 $0x0;
	s3 =	smul.u32 $0xF, s8  }
0x5: {  	[smem:$0x7FF] =	sst s2  }
0x6: {  	s1 =	rddreg [dreg:$0x2];
	_ =	strace $0x80000047;
	s3 =	sadd.s32 s3, s5  }
0x7: {  	s10 =	ssub.s32 $0x2, s6;
	s4 =	sadd.s32 $0xA00, s3;
	s3 =	simm.s32 $0x2  }
0x8: {  	[tilespmem:s2], [sflag:$0x2] =	stream.linear.gather [hbm4b:s4+s2], $0x78, $0x38;
	[tilespmem:$0x1E78] =	vst v63  }
0x9: {  	s7 =	simm.s32 $0x1;
	s11 =	sshrl.u32 s10, $0x1;
	_ =	swait.ge [sflag:s3], $0x78  }
0xa: {  	s6 =	simm.s32 $0x78;
	s10 =	ssub.s32 s10, s11;
	[sflag:s3] =	ssyncset.done $0x0  }
0xb: {  	s5 =	sadd.s32 $0x240A00, s5;
	s31 =	smax.u32 s10, $0x1;
	[sflag:s3] =	ssyncadd.s32 $0xFFFFFF88  }
0xc: {  	[tilespmem:s6], [sflag:$0x1] =	stream.indirect.gather [hbm4b:s5+s6], $0x40, s2, s6, $0xb8;
	[tilespmem:$0x1E78] =	vst v63  }
0xd: {  	s8 =	smul.u32 $0x3C0, s8;
	p0 =	sne.s32 s31, $0x1;
	_ =	swait.ge [sflag:s7], $0x1E00  }
.Ltmp0:
0xe: {  	[sflag:s7] =	ssyncset.done $0x0;
	(pc) =	sbr.rel @!p0 .LBB2_2-.Ltmp0, $4  }
0xf: {  	s8 =	sadd.s32 s9, s8;
	[sflag:s7] =	ssyncadd.s32 $0xFFFFE200  }
0x10: {  	[hbm4b:s8+s2] =	stream.linear.scatter [tilespmem:s6], [sflag:$0x2], $0x1E00, $0x38;
	[tilespmem:$0x1E78] =	vst v63  }
0x11: {  	_ =	swait.ge [sflag:s3], $0x1E00  }
0x12: {  	s9 =	sadd.s32 $0xFFFFFFFF, s31;
	[sflag:s3] =	ssyncset.done $0x0  }
.LBB2_1:
0x13: {  	p0 =	sne.s32 s9, $0x1;
	s9 =	sadd.s32 $0xFFFFFFFF, s9;
	[sflag:s3] =	ssyncadd.s32 $0xFFFFE200  }
0x14: {  	[tilespmem:s2], [sflag:$0x2] =	stream.linear.gather [hbm4b:s4+s2], $0x78, $0x38;
	[tilespmem:$0x1E78] =	vst v63  }
0x15: {  	_ =	swait.ge [sflag:s3], $0x78  }
0x16: {  	[sflag:s3] =	ssyncset.done $0x0  }
0x17: {  	[sflag:s3] =	ssyncadd.s32 $0xFFFFFF88  }
0x18: {  	[tilespmem:s6], [sflag:$0x1] =	stream.indirect.gather [hbm4b:s5+s6], $0x40, s2, s6, $0xb8;
	[tilespmem:$0x1E78] =	vst v63  }
0x19: {  	_ =	swait.ge [sflag:s7], $0x1E00  }
.Ltmp1:
0x1a: {  	[sflag:s7] =	ssyncset.done $0x0;
	(pc) =	sbr.rel @p0 .LBB2_1-.Ltmp1, $4  }
0x1b: {  	[sflag:s7] =	ssyncadd.s32 $0xFFFFE200  }
0x1c: {  	[hbm4b:s8+s2] =	stream.linear.scatter [tilespmem:s6], [sflag:$0x2], $0x1E00, $0x38;
	[tilespmem:$0x1E78] =	vst v63  }
0x1d: {  	_ =	swait.ge [sflag:s3], $0x1E00  }
0x1e: {  	[sflag:s3] =	ssyncset.done $0x0  }
.LBB2_2:
0x1f: {  	[sflag:s3] =	ssyncadd.s32 $0xFFFFE200  }
0x20: {  	_ =	sfence.sel $0x180000  }
0x21: {  	[bflag:$0x0] =	sbarrier.arrive $0xFFFF  }
0x22: {  	p0 =	sne.s32 s0, $0x0;
	_ =	strace $0x90000047  }
0x23: {  	s0 =	sadd.s32 @!p0 $0x100000, s1;
	[bflag:$0x2] =	sbarrier.arrive $0xFFFF  }
0x24: {  	[sflag:s0] =	ssyncadd.tile.s32 @!p0 $0x1;
	_ =	shalt  }
.Lfunc_end2:
_tile_overlayer_lowered:
.L_overlay_start_2:
0x25: {  	(tag) =	ssettag $0x2  }
0x26: {  	s0 =	rddreg [dreg:$0x0];
	s2 =	stileid.u32  }
0x27: {  	s1 =	rddreg [dreg:$0x1];
	p0 =	sne.s32 s2, $0x0  }
0x28: {  	s3 =	rddreg [dreg:$0x2];
	[bflag:$0x3] =	sbarrier.arrive $0xFFFF;
	s2 =	simm.s32 @!p0 $0x1C02  }
0x29: {  	[timem:s3], [sflag:s2] =	dma.local @!p0 [hbm:s0], s1  }
0x2a: {  	s0 =	simm.s32 @!p0 $0x2  }
0x2b: {  	_ =	swait.ge @!p0 [sflag:s0], s1  }
0x2c: {  	s1 =	ssub.s32 @!p0 $0x0, s1;
	[sflag:s0] =	ssyncset.done @!p0 $0x0  }
0x2d: {  	[sflag:s0] =	ssyncadd.s32 @!p0 s1  }
0x2e: {  	[bflag:$0x3] =	sbarrier.arrive $0xFFFF  }
0x2f: {  	_ =	shalt  }

</sc_bundles>
